<compile_context>
chip_gen: v7x
topology: tpu7x:2x2x1
jax: 0.10.2.dev20260603
libtpu: 0.0.44.dev20260713+nightly
codegen_flags: <defaults>
</compile_context>

<pallas_src>
import functools

import jax
import jax.numpy as jnp
from jax import lax
from jax.experimental import pallas as pl
from jax.experimental.pallas import tpu as pltpu
from jax.experimental.pallas import tpu_sc as plsc
from jax.experimental.layout import Layout, with_layout_constraint

L = 16


def _make_sc_kernel(B, S, D, NB):
    info = plsc.get_sparse_core_info()
    NC, NS = info.num_cores, info.num_subcores
    NW = NC * NS
    assert B % NW == 0
    BPW = B // NW
    assert BPW % NB == 0
    ROWS = NB * S
    CH = 80
    assert ROWS % CH == 0
    NCH = ROWS // CH
    G = BPW // NB
    assert G % 2 == 0
    WROWS = BPW * S

    mesh = plsc.VectorSubcoreMesh(core_axis_name="c", subcore_axis_name="s")

    @functools.partial(
        pl.kernel,
        mesh=mesh,
        out_type=jax.ShapeDtypeStruct((B * S, 2 * D), jnp.float32),
        compiler_params=pltpu.CompilerParams(use_tc_tiling_on_sc=False),
        scratch_types=[
            pltpu.VMEM((WROWS,), jnp.int32),
            pltpu.VMEM((ROWS, D), jnp.float32),
            pltpu.VMEM((ROWS, D), jnp.float32),
            pltpu.VMEM((S, D), jnp.float32),
            pltpu.SemaphoreType.DMA,
            pltpu.SemaphoreType.DMA,
            pltpu.SemaphoreType.DMA,
            pltpu.SemaphoreType.DMA,
        ],
    )
    def emb_kernel(x_ref, tab_ref, pos_ref, out_ref,
                   idx_v, emb_a, emb_b, pos_v, sga, sgb, swa, swb):
        wid = lax.axis_index("s") * NC + lax.axis_index("c")
        row_base = wid * WROWS
        pltpu.sync_copy(x_ref.at[pl.ds(row_base, WROWS)], idx_v)
        pltpu.sync_copy(pos_ref, pos_v)

        def fire_gather(g, buf, sem):
            for i in range(NCH):
                pltpu.async_copy(
                    tab_ref.at[idx_v.at[pl.ds(g * ROWS + i * CH, CH)]],
                    buf.at[pl.ds(i * CH, CH)],
                    sem,
                )

        def wait_gather(buf, sem):
            for i in range(NCH):
                pltpu.make_async_copy(
                    tab_ref.at[idx_v.at[pl.ds(i * CH, CH)]],
                    buf.at[pl.ds(i * CH, CH)],
                    sem,
                ).wait()

        def fire_writeout(g, buf, sem):
            return pltpu.async_copy(
                buf,
                out_ref.at[pl.ds(row_base + g * ROWS, ROWS), pl.ds(0, D)],
                sem)

        def wait_writeout(buf, sem):
            pltpu.make_async_copy(
                buf,
                out_ref.at[pl.ds(row_base, ROWS), pl.ds(0, D)],
                sem).wait()

        def add_pos(buf):
            def add_s(s, c2):
                for j in range(NB):
                    r = j * S + s
                    for cchunk in range(D // L):
                        sl = pl.ds(cchunk * L, L)
                        buf[r, sl] = buf[r, sl] + pos_v[s, sl]
                return c2
            lax.fori_loop(0, S, add_s, 0)

        fire_gather(0, emb_a, sga)

        def body(h, carry):
            ga = 2 * h
            gb = 2 * h + 1
            @pl.when(h > 0)
            def _():
                wait_writeout(emb_b, swb)
            fire_gather(gb, emb_b, sgb)
            wait_gather(emb_a, sga)
            add_pos(emb_a)
            fire_writeout(ga, emb_a, swa)
            @pl.when(h + 1 < G // 2)
            def _():
                wait_writeout(emb_a, swa)
                fire_gather(ga + 2, emb_a, sga)
            wait_gather(emb_b, sgb)
            add_pos(emb_b)
            fire_writeout(gb, emb_b, swb)
            return carry

        lax.fori_loop(0, G // 2, body, 0)
        wait_writeout(emb_a, swa)
        wait_writeout(emb_b, swb)

    return emb_kernel


def kernel(x, word_table, pos_table):
    B, S = x.shape
    V, D = word_table.shape
    x_flat = x.reshape(-1).astype(jnp.int32)
    emb_fn = _make_sc_kernel(B, S, D, NB=2)
    out_pad = emb_fn(x_flat, word_table, pos_table)
    out3 = out_pad[:, :D].reshape(B, S, D)
    return with_layout_constraint(
        out3, Layout(major_to_minor=(1, 2, 0), tiling=((8, 128),)))

# --- scband reference (transcript-rebuilt; emitter-appended) ---
"""Pipeline reference for scband-embedding-layer-6536940225039 (READ-ONLY COPY).

The authoritative reference and input builder live on the scoring server;
editing this copy changes nothing except your own understanding.
"""

import jax, jax.numpy as jnp
import numpy as np

VOCAB = 1000000
EMBED_DIM = 64
BATCH = 4096
SEQ_LEN = 200

def setup_inputs(seed: int = 0) -> dict:
    key = jax.random.key(seed)
    k1, k2, k3 = jax.random.split(key, 3)
    x = jax.random.randint(k1, (BATCH, SEQ_LEN), 0, VOCAB, dtype=jnp.int64 if jax.config.jax_enable_x64 else jnp.int32)
    word_table = jax.random.normal(k2, (VOCAB, EMBED_DIM), dtype=jnp.float32) * 0.02
    pos_table = jax.random.normal(k3, (SEQ_LEN, EMBED_DIM), dtype=jnp.float32) * 0.02
    return {"x": x, "word_table": word_table, "pos_table": pos_table}

def reference(x, word_table, pos_table):
    # word_embed_layer: embedding lookup (gather)
    emb = jnp.take(word_table, x, axis=0)  # [B, S, D]
    # position_embed_layer: add learned positional embeddings
    out = emb + pos_table[None, :, :]
    return out

if __name__ == "__main__":
    import jax
    _d = setup_inputs()
    print(jax.jit(kernel)(*tuple(_d.values())))

</pallas_src>

<mosaic_0001>
#map = affine_map<(d0, d1) -> (0)>
#map1 = affine_map<(d0, d1) -> (0, 0)>
module attributes {stable_mosaic.version = 14 : i64} {
  func.func @emb_kernel(%arg0: i32, %arg1: i32, %arg2: memref<819200xi32, #tpu.memory_space<hbm>>, %arg3: memref<1000000x64xf32, #tpu.memory_space<hbm>>, %arg4: memref<200x64xf32, #tpu.memory_space<hbm>>, %arg5: memref<819200x128xf32, #tpu.memory_space<hbm>>, %arg6: memref<25600xi32, #tpu.memory_space<vmem>>, %arg7: memref<400x64xf32, #tpu.memory_space<vmem>>, %arg8: memref<400x64xf32, #tpu.memory_space<vmem>>, %arg9: memref<200x64xf32, #tpu.memory_space<vmem>>, %arg10: memref<!tpu.dma_semaphore, #tpu.memory_space<semaphore_mem>>, %arg11: memref<!tpu.dma_semaphore, #tpu.memory_space<semaphore_mem>>, %arg12: memref<!tpu.dma_semaphore, #tpu.memory_space<semaphore_mem>>, %arg13: memref<!tpu.dma_semaphore, #tpu.memory_space<semaphore_mem>>) attributes {dimension_semantics = [#tpu.dimension_semantics<core_parallel>, #tpu.dimension_semantics<subcore_parallel>], iteration_bounds = array<i64: 2, 16>, scalar_prefetch = 0 : i64, scratch_operands = 8 : i64, tpu.core_type = #tpu.core_type<sc_vector_subcore>, window_params = [{transform_indices = #map}, {transform_indices = #map1}, {transform_indices = #map1}, {transform_indices = #map1}]} {
    %mul3A = arith.constant 2 : i32
    %mul3A_0 = arith.muli %arg1, %mul3A : i32
    %add3A = arith.addi %mul3A_0, %arg0 : i32
    %mul3A_1 = arith.constant 25600 : i32
    %mul3A_2 = arith.muli %add3A, %mul3A_1 : i32
    "tpu.region"() ({
      %run_scoped3A = tpu.sem_alloc : memref<!tpu.dma_semaphore, #tpu.memory_space<semaphore_mem>>
      %dma_start3A_54 = tpu.memref_slice %arg2[%mul3A_2] : memref<819200xi32, #tpu.memory_space<hbm>> -> memref<25600xi32, #tpu.memory_space<hbm>>
      %dma_start3A_55 = tpu.memref_slice %arg2[%mul3A_2] : memref<819200xi32, #tpu.memory_space<hbm>> -> memref<25600xi32, #tpu.memory_space<hbm>>
      tpu.enqueue_dma source(%dma_start3A_55 : memref<25600xi32, #tpu.memory_space<hbm>>) target(%arg6 : memref<25600xi32, #tpu.memory_space<vmem>>) target_semaphore(%run_scoped3A : memref<!tpu.dma_semaphore, #tpu.memory_space<semaphore_mem>>)
      %dma_wait3A_56 = tpu.memref_slice %arg2[%mul3A_2] : memref<819200xi32, #tpu.memory_space<hbm>> -> memref<25600xi32, #tpu.memory_space<hbm>>
      %dma_wait3A_57 = tpu.memref_slice %arg2[%mul3A_2] : memref<819200xi32, #tpu.memory_space<hbm>> -> memref<25600xi32, #tpu.memory_space<hbm>>
      tpu.wait_dma2 semaphore(%run_scoped3A : memref<!tpu.dma_semaphore, #tpu.memory_space<semaphore_mem>>) src(%dma_wait3A_57 : memref<25600xi32, #tpu.memory_space<hbm>>) dst(%arg6 : memref<25600xi32, #tpu.memory_space<vmem>>)
      tpu.yield
    }) : () -> ()
    "tpu.region"() ({
      %run_scoped3A = tpu.sem_alloc : memref<!tpu.dma_semaphore, #tpu.memory_space<semaphore_mem>>
      tpu.enqueue_dma source(%arg4 : memref<200x64xf32, #tpu.memory_space<hbm>>) target(%arg9 : memref<200x64xf32, #tpu.memory_space<vmem>>) target_semaphore(%run_scoped3A : memref<!tpu.dma_semaphore, #tpu.memory_space<semaphore_mem>>)
      tpu.wait_dma2 semaphore(%run_scoped3A : memref<!tpu.dma_semaphore, #tpu.memory_space<semaphore_mem>>) src(%arg4 : memref<200x64xf32, #tpu.memory_space<hbm>>) dst(%arg9 : memref<200x64xf32, #tpu.memory_space<vmem>>)
      tpu.yield
    }) : () -> ()
    %dma_start3A = arith.constant 0 : i32
    %dma_start3A_3 = arith.constant 0 : i32
    %dma_start3A_4 = tpu.memref_slice %arg7[%dma_start3A, %dma_start3A_3] : memref<400x64xf32, #tpu.memory_space<vmem>> -> memref<80x64xf32, #tpu.memory_space<vmem>>
    %dma_start3A_5 = arith.constant 0 : i32
    %dma_start3A_6 = tpu.memref_slice %arg6[%dma_start3A_5] : memref<25600xi32, #tpu.memory_space<vmem>> -> memref<80xi32, #tpu.memory_space<vmem>>
    %dma_start3A_7 = arith.constant 0 : i32
    %dma_start3A_8 = arith.constant 0 : i32
    %dma_start3A_9 = tpu.memref_slice %arg3[%dma_start3A_7, %dma_start3A_8] : memref<1000000x64xf32, #tpu.memory_space<hbm>> -> memref<1000000x64xf32, #tpu.memory_space<hbm>>
    tpu.enqueue_indirect_dma source(%dma_start3A_9 : memref<1000000x64xf32, #tpu.memory_space<hbm>>) target(%dma_start3A_4 : memref<80x64xf32, #tpu.memory_space<vmem>>) offsets(%dma_start3A_6 : memref<80xi32, #tpu.memory_space<vmem>>) semaphore(%arg10 : memref<!tpu.dma_semaphore, #tpu.memory_space<semaphore_mem>>)
    %dma_start3A_10 = arith.constant 80 : i32
    %dma_start3A_11 = arith.constant 0 : i32
    %dma_start3A_12 = tpu.memref_slice %arg7[%dma_start3A_10, %dma_start3A_11] : memref<400x64xf32, #tpu.memory_space<vmem>> -> memref<80x64xf32, #tpu.memory_space<vmem>>
    %dma_start3A_13 = arith.constant 80 : i32
    %dma_start3A_14 = tpu.memref_slice %arg6[%dma_start3A_13] : memref<25600xi32, #tpu.memory_space<vmem>> -> memref<80xi32, #tpu.memory_space<vmem>>
    %dma_start3A_15 = arith.constant 0 : i32
    %dma_start3A_16 = arith.constant 0 : i32
    %dma_start3A_17 = tpu.memref_slice %arg3[%dma_start3A_15, %dma_start3A_16] : memref<1000000x64xf32, #tpu.memory_space<hbm>> -> memref<1000000x64xf32, #tpu.memory_space<hbm>>
    tpu.enqueue_indirect_dma source(%dma_start3A_17 : memref<1000000x64xf32, #tpu.memory_space<hbm>>) target(%dma_start3A_12 : memref<80x64xf32, #tpu.memory_space<vmem>>) offsets(%dma_start3A_14 : memref<80xi32, #tpu.memory_space<vmem>>) semaphore(%arg10 : memref<!tpu.dma_semaphore, #tpu.memory_space<semaphore_mem>>)
    %dma_start3A_18 = arith.constant 160 : i32
    %dma_start3A_19 = arith.constant 0 : i32
    %dma_start3A_20 = tpu.memref_slice %arg7[%dma_start3A_18, %dma_start3A_19] : memref<400x64xf32, #tpu.memory_space<vmem>> -> memref<80x64xf32, #tpu.memory_space<vmem>>
    %dma_start3A_21 = arith.constant 160 : i32
    %dma_start3A_22 = tpu.memref_slice %arg6[%dma_start3A_21] : memref<25600xi32, #tpu.memory_space<vmem>> -> memref<80xi32, #tpu.memory_space<vmem>>
    %dma_start3A_23 = arith.constant 0 : i32
    %dma_start3A_24 = arith.constant 0 : i32
    %dma_start3A_25 = tpu.memref_slice %arg3[%dma_start3A_23, %dma_start3A_24] : memref<1000000x64xf32, #tpu.memory_space<hbm>> -> memref<1000000x64xf32, #tpu.memory_space<hbm>>
    tpu.enqueue_indirect_dma source(%dma_start3A_25 : memref<1000000x64xf32, #tpu.memory_space<hbm>>) target(%dma_start3A_20 : memref<80x64xf32, #tpu.memory_space<vmem>>) offsets(%dma_start3A_22 : memref<80xi32, #tpu.memory_space<vmem>>) semaphore(%arg10 : memref<!tpu.dma_semaphore, #tpu.memory_space<semaphore_mem>>)
    %dma_start3A_26 = arith.constant 240 : i32
    %dma_start3A_27 = arith.constant 0 : i32
    %dma_start3A_28 = tpu.memref_slice %arg7[%dma_start3A_26, %dma_start3A_27] : memref<400x64xf32, #tpu.memory_space<vmem>> -> memref<80x64xf32, #tpu.memory_space<vmem>>
    %dma_start3A_29 = arith.constant 240 : i32
    %dma_start3A_30 = tpu.memref_slice %arg6[%dma_start3A_29] : memref<25600xi32, #tpu.memory_space<vmem>> -> memref<80xi32, #tpu.memory_space<vmem>>
    %dma_start3A_31 = arith.constant 0 : i32
    %dma_start3A_32 = arith.constant 0 : i32
    %dma_start3A_33 = tpu.memref_slice %arg3[%dma_start3A_31, %dma_start3A_32] : memref<1000000x64xf32, #tpu.memory_space<hbm>> -> memref<1000000x64xf32, #tpu.memory_space<hbm>>
    tpu.enqueue_indirect_dma source(%dma_start3A_33 : memref<1000000x64xf32, #tpu.memory_space<hbm>>) target(%dma_start3A_28 : memref<80x64xf32, #tpu.memory_space<vmem>>) offsets(%dma_start3A_30 : memref<80xi32, #tpu.memory_space<vmem>>) semaphore(%arg10 : memref<!tpu.dma_semaphore, #tpu.memory_space<semaphore_mem>>)
    %dma_start3A_34 = arith.constant 320 : i32
    %dma_start3A_35 = arith.constant 0 : i32
    %dma_start3A_36 = tpu.memref_slice %arg7[%dma_start3A_34, %dma_start3A_35] : memref<400x64xf32, #tpu.memory_space<vmem>> -> memref<80x64xf32, #tpu.memory_space<vmem>>
    %dma_start3A_37 = arith.constant 320 : i32
    %dma_start3A_38 = tpu.memref_slice %arg6[%dma_start3A_37] : memref<25600xi32, #tpu.memory_space<vmem>> -> memref<80xi32, #tpu.memory_space<vmem>>
    %dma_start3A_39 = arith.constant 0 : i32
    %dma_start3A_40 = arith.constant 0 : i32
    %dma_start3A_41 = tpu.memref_slice %arg3[%dma_start3A_39, %dma_start3A_40] : memref<1000000x64xf32, #tpu.memory_space<hbm>> -> memref<1000000x64xf32, #tpu.memory_space<hbm>>
    tpu.enqueue_indirect_dma source(%dma_start3A_41 : memref<1000000x64xf32, #tpu.memory_space<hbm>>) target(%dma_start3A_36 : memref<80x64xf32, #tpu.memory_space<vmem>>) offsets(%dma_start3A_38 : memref<80xi32, #tpu.memory_space<vmem>>) semaphore(%arg10 : memref<!tpu.dma_semaphore, #tpu.memory_space<semaphore_mem>>)
    %scan3A = arith.constant 0 : i32
    %scan3A_42 = arith.constant 0 : i32
    %scan3A_43 = arith.constant 32 : i32
    %scan3A_44 = arith.addi %scan3A_42, %scan3A_43 : i32
    %scan3A_45 = arith.constant 1 : i32
    scf.for %scan3A_54 = %scan3A_42 to %scan3A_44 step %scan3A_45  : i32 {
      %mul3A_55 = arith.constant 2 : i32
      %mul3A_56 = arith.muli %mul3A_55, %scan3A_54 : i32
      %mul3A_57 = arith.constant 2 : i32
      %mul3A_58 = arith.muli %mul3A_57, %scan3A_54 : i32
      %add3A_59 = arith.constant 1 : i32
      %add3A_60 = arith.addi %mul3A_58, %add3A_59 : i32
      %gt3A = arith.constant 0 : i32
      %gt3A_61 = arith.cmpi sgt, %scan3A_54, %gt3A : i32
      %convert_element_type3A = arith.extui %gt3A_61 : i1 to i32
      %cond3A = arith.constant 0 : i32
      %cond3A_62 = arith.cmpi ne, %convert_element_type3A, %cond3A : i32
      scf.if %cond3A_62 {
        %dma_wait3A_230 = arith.constant 0 : i32
        %dma_wait3A_231 = tpu.memref_slice %arg5[%mul3A_2, %dma_wait3A_230] : memref<819200x128xf32, #tpu.memory_space<hbm>> -> memref<400x64xf32, #tpu.memory_space<hbm>>
        %dma_wait3A_232 = arith.constant 0 : i32
        %dma_wait3A_233 = tpu.memref_slice %arg5[%mul3A_2, %dma_wait3A_232] : memref<819200x128xf32, #tpu.memory_space<hbm>> -> memref<400x64xf32, #tpu.memory_space<hbm>>
        tpu.wait_dma2 semaphore(%arg13 : memref<!tpu.dma_semaphore, #tpu.memory_space<semaphore_mem>>) src(%arg8 : memref<400x64xf32, #tpu.memory_space<vmem>>) dst(%dma_wait3A_233 : memref<400x64xf32, #tpu.memory_space<hbm>>)
      } else {
      }
      %mul3A_63 = arith.constant 400 : i32
      %mul3A_64 = arith.muli %add3A_60, %mul3A_63 : i32
      %add3A_65 = arith.constant 0 : i32
      %add3A_66 = arith.addi %mul3A_64, %add3A_65 : i32
      %dma_start3A_67 = arith.constant 0 : i32
      %dma_start3A_68 = arith.constant 0 : i32
      %dma_start3A_69 = tpu.memref_slice %arg8[%dma_start3A_67, %dma_start3A_68] : memref<400x64xf32, #tpu.memory_space<vmem>> -> memref<80x64xf32, #tpu.memory_space<vmem>>
      %dma_start3A_70 = tpu.memref_slice %arg6[%add3A_66] : memref<25600xi32, #tpu.memory_space<vmem>> -> memref<80xi32, #tpu.memory_space<vmem>>
      %dma_start3A_71 = arith.constant 0 : i32
      %dma_start3A_72 = arith.constant 0 : i32
      %dma_start3A_73 = tpu.memref_slice %arg3[%dma_start3A_71, %dma_start3A_72] : memref<1000000x64xf32, #tpu.memory_space<hbm>> -> memref<1000000x64xf32, #tpu.memory_space<hbm>>
      tpu.enqueue_indirect_dma source(%dma_start3A_73 : memref<1000000x64xf32, #tpu.memory_space<hbm>>) target(%dma_start3A_69 : memref<80x64xf32, #tpu.memory_space<vmem>>) offsets(%dma_start3A_70 : memref<80xi32, #tpu.memory_space<vmem>>) semaphore(%arg11 : memref<!tpu.dma_semaphore, #tpu.memory_space<semaphore_mem>>)
      %mul3A_74 = arith.constant 400 : i32
      %mul3A_75 = arith.muli %add3A_60, %mul3A_74 : i32
      %add3A_76 = arith.constant 80 : i32
      %add3A_77 = arith.addi %mul3A_75, %add3A_76 : i32
      %dma_start3A_78 = arith.constant 80 : i32
      %dma_start3A_79 = arith.constant 0 : i32
      %dma_start3A_80 = tpu.memref_slice %arg8[%dma_start3A_78, %dma_start3A_79] : memref<400x64xf32, #tpu.memory_space<vmem>> -> memref<80x64xf32, #tpu.memory_space<vmem>>
      %dma_start3A_81 = tpu.memref_slice %arg6[%add3A_77] : memref<25600xi32, #tpu.memory_space<vmem>> -> memref<80xi32, #tpu.memory_space<vmem>>
      %dma_start3A_82 = arith.constant 0 : i32
      %dma_start3A_83 = arith.constant 0 : i32
      %dma_start3A_84 = tpu.memref_slice %arg3[%dma_start3A_82, %dma_start3A_83] : memref<1000000x64xf32, #tpu.memory_space<hbm>> -> memref<1000000x64xf32, #tpu.memory_space<hbm>>
      tpu.enqueue_indirect_dma source(%dma_start3A_84 : memref<1000000x64xf32, #tpu.memory_space<hbm>>) target(%dma_start3A_80 : memref<80x64xf32, #tpu.memory_space<vmem>>) offsets(%dma_start3A_81 : memref<80xi32, #tpu.memory_space<vmem>>) semaphore(%arg11 : memref<!tpu.dma_semaphore, #tpu.memory_space<semaphore_mem>>)
      %mul3A_85 = arith.constant 400 : i32
      %mul3A_86 = arith.muli %add3A_60, %mul3A_85 : i32
      %add3A_87 = arith.constant 160 : i32
      %add3A_88 = arith.addi %mul3A_86, %add3A_87 : i32
      %dma_start3A_89 = arith.constant 160 : i32
      %dma_start3A_90 = arith.constant 0 : i32
      %dma_start3A_91 = tpu.memref_slice %arg8[%dma_start3A_89, %dma_start3A_90] : memref<400x64xf32, #tpu.memory_space<vmem>> -> memref<80x64xf32, #tpu.memory_space<vmem>>
      %dma_start3A_92 = tpu.memref_slice %arg6[%add3A_88] : memref<25600xi32, #tpu.memory_space<vmem>> -> memref<80xi32, #tpu.memory_space<vmem>>
      %dma_start3A_93 = arith.constant 0 : i32
      %dma_start3A_94 = arith.constant 0 : i32
      %dma_start3A_95 = tpu.memref_slice %arg3[%dma_start3A_93, %dma_start3A_94] : memref<1000000x64xf32, #tpu.memory_space<hbm>> -> memref<1000000x64xf32, #tpu.memory_space<hbm>>
      tpu.enqueue_indirect_dma source(%dma_start3A_95 : memref<1000000x64xf32, #tpu.memory_space<hbm>>) target(%dma_start3A_91 : memref<80x64xf32, #tpu.memory_space<vmem>>) offsets(%dma_start3A_92 : memref<80xi32, #tpu.memory_space<vmem>>) semaphore(%arg11 : memref<!tpu.dma_semaphore, #tpu.memory_space<semaphore_mem>>)
      %mul3A_96 = arith.constant 400 : i32
      %mul3A_97 = arith.muli %add3A_60, %mul3A_96 : i32
      %add3A_98 = arith.constant 240 : i32
      %add3A_99 = arith.addi %mul3A_97, %add3A_98 : i32
      %dma_start3A_100 = arith.constant 240 : i32
      %dma_start3A_101 = arith.constant 0 : i32
      %dma_start3A_102 = tpu.memref_slice %arg8[%dma_start3A_100, %dma_start3A_101] : memref<400x64xf32, #tpu.memory_space<vmem>> -> memref<80x64xf32, #tpu.memory_space<vmem>>
      %dma_start3A_103 = tpu.memref_slice %arg6[%add3A_99] : memref<25600xi32, #tpu.memory_space<vmem>> -> memref<80xi32, #tpu.memory_space<vmem>>
      %dma_start3A_104 = arith.constant 0 : i32
      %dma_start3A_105 = arith.constant 0 : i32
      %dma_start3A_106 = tpu.memref_slice %arg3[%dma_start3A_104, %dma_start3A_105] : memref<1000000x64xf32, #tpu.memory_space<hbm>> -> memref<1000000x64xf32, #tpu.memory_space<hbm>>
      tpu.enqueue_indirect_dma source(%dma_start3A_106 : memref<1000000x64xf32, #tpu.memory_space<hbm>>) target(%dma_start3A_102 : memref<80x64xf32, #tpu.memory_space<vmem>>) offsets(%dma_start3A_103 : memref<80xi32, #tpu.memory_space<vmem>>) semaphore(%arg11 : memref<!tpu.dma_semaphore, #tpu.memory_space<semaphore_mem>>)
      %mul3A_107 = arith.constant 400 : i32
      %mul3A_108 = arith.muli %add3A_60, %mul3A_107 : i32
      %add3A_109 = arith.constant 320 : i32
      %add3A_110 = arith.addi %mul3A_108, %add3A_109 : i32
      %dma_start3A_111 = arith.constant 320 : i32
      %dma_start3A_112 = arith.constant 0 : i32
      %dma_start3A_113 = tpu.memref_slice %arg8[%dma_start3A_111, %dma_start3A_112] : memref<400x64xf32, #tpu.memory_space<vmem>> -> memref<80x64xf32, #tpu.memory_space<vmem>>
      %dma_start3A_114 = tpu.memref_slice %arg6[%add3A_110] : memref<25600xi32, #tpu.memory_space<vmem>> -> memref<80xi32, #tpu.memory_space<vmem>>
      %dma_start3A_115 = arith.constant 0 : i32
      %dma_start3A_116 = arith.constant 0 : i32
      %dma_start3A_117 = tpu.memref_slice %arg3[%dma_start3A_115, %dma_start3A_116] : memref<1000000x64xf32, #tpu.memory_space<hbm>> -> memref<1000000x64xf32, #tpu.memory_space<hbm>>
      tpu.enqueue_indirect_dma source(%dma_start3A_117 : memref<1000000x64xf32, #tpu.memory_space<hbm>>) target(%dma_start3A_113 : memref<80x64xf32, #tpu.memory_space<vmem>>) offsets(%dma_start3A_114 : memref<80xi32, #tpu.memory_space<vmem>>) semaphore(%arg11 : memref<!tpu.dma_semaphore, #tpu.memory_space<semaphore_mem>>)
      %dma_wait3A_118 = arith.constant 0 : i32
      %dma_wait3A_119 = arith.constant 0 : i32
      %dma_wait3A_120 = tpu.memref_slice %arg7[%dma_wait3A_118, %dma_wait3A_119] : memref<400x64xf32, #tpu.memory_space<vmem>> -> memref<80x64xf32, #tpu.memory_space<vmem>>
      %dma_wait3A_121 = arith.constant 0 : i32
      %dma_wait3A_122 = tpu.memref_slice %arg6[%dma_wait3A_121] : memref<25600xi32, #tpu.memory_space<vmem>> -> memref<80xi32, #tpu.memory_space<vmem>>
      %dma_wait3A_123 = arith.constant 0 : i32
      %dma_wait3A_124 = arith.constant 0 : i32
      %dma_wait3A_125 = tpu.memref_slice %arg3[%dma_wait3A_123, %dma_wait3A_124] : memref<1000000x64xf32, #tpu.memory_space<hbm>> -> memref<1000000x64xf32, #tpu.memory_space<hbm>>
      tpu.wait_indirect_dma semaphore(%arg10 : memref<!tpu.dma_semaphore, #tpu.memory_space<semaphore_mem>>) src(%dma_wait3A_125 : memref<1000000x64xf32, #tpu.memory_space<hbm>>) dst(%dma_wait3A_120 : memref<80x64xf32, #tpu.memory_space<vmem>>)
      %dma_wait3A_126 = arith.constant 80 : i32
      %dma_wait3A_127 = arith.constant 0 : i32
      %dma_wait3A_128 = tpu.memref_slice %arg7[%dma_wait3A_126, %dma_wait3A_127] : memref<400x64xf32, #tpu.memory_space<vmem>> -> memref<80x64xf32, #tpu.memory_space<vmem>>
      %dma_wait3A_129 = arith.constant 80 : i32
      %dma_wait3A_130 = tpu.memref_slice %arg6[%dma_wait3A_129] : memref<25600xi32, #tpu.memory_space<vmem>> -> memref<80xi32, #tpu.memory_space<vmem>>
      %dma_wait3A_131 = arith.constant 0 : i32
      %dma_wait3A_132 = arith.constant 0 : i32
      %dma_wait3A_133 = tpu.memref_slice %arg3[%dma_wait3A_131, %dma_wait3A_132] : memref<1000000x64xf32, #tpu.memory_space<hbm>> -> memref<1000000x64xf32, #tpu.memory_space<hbm>>
      tpu.wait_indirect_dma semaphore(%arg10 : memref<!tpu.dma_semaphore, #tpu.memory_space<semaphore_mem>>) src(%dma_wait3A_133 : memref<1000000x64xf32, #tpu.memory_space<hbm>>) dst(%dma_wait3A_128 : memref<80x64xf32, #tpu.memory_space<vmem>>)
      %dma_wait3A_134 = arith.constant 160 : i32
      %dma_wait3A_135 = arith.constant 0 : i32
      %dma_wait3A_136 = tpu.memref_slice %arg7[%dma_wait3A_134, %dma_wait3A_135] : memref<400x64xf32, #tpu.memory_space<vmem>> -> memref<80x64xf32, #tpu.memory_space<vmem>>
      %dma_wait3A_137 = arith.constant 160 : i32
      %dma_wait3A_138 = tpu.memref_slice %arg6[%dma_wait3A_137] : memref<25600xi32, #tpu.memory_space<vmem>> -> memref<80xi32, #tpu.memory_space<vmem>>
      %dma_wait3A_139 = arith.constant 0 : i32
      %dma_wait3A_140 = arith.constant 0 : i32
      %dma_wait3A_141 = tpu.memref_slice %arg3[%dma_wait3A_139, %dma_wait3A_140] : memref<1000000x64xf32, #tpu.memory_space<hbm>> -> memref<1000000x64xf32, #tpu.memory_space<hbm>>
      tpu.wait_indirect_dma semaphore(%arg10 : memref<!tpu.dma_semaphore, #tpu.memory_space<semaphore_mem>>) src(%dma_wait3A_141 : memref<1000000x64xf32, #tpu.memory_space<hbm>>) dst(%dma_wait3A_136 : memref<80x64xf32, #tpu.memory_space<vmem>>)
      %dma_wait3A_142 = arith.constant 240 : i32
      %dma_wait3A_143 = arith.constant 0 : i32
      %dma_wait3A_144 = tpu.memref_slice %arg7[%dma_wait3A_142, %dma_wait3A_143] : memref<400x64xf32, #tpu.memory_space<vmem>> -> memref<80x64xf32, #tpu.memory_space<vmem>>
      %dma_wait3A_145 = arith.constant 240 : i32
      %dma_wait3A_146 = tpu.memref_slice %arg6[%dma_wait3A_145] : memref<25600xi32, #tpu.memory_space<vmem>> -> memref<80xi32, #tpu.memory_space<vmem>>
      %dma_wait3A_147 = arith.constant 0 : i32
      %dma_wait3A_148 = arith.constant 0 : i32
      %dma_wait3A_149 = tpu.memref_slice %arg3[%dma_wait3A_147, %dma_wait3A_148] : memref<1000000x64xf32, #tpu.memory_space<hbm>> -> memref<1000000x64xf32, #tpu.memory_space<hbm>>
      tpu.wait_indirect_dma semaphore(%arg10 : memref<!tpu.dma_semaphore, #tpu.memory_space<semaphore_mem>>) src(%dma_wait3A_149 : memref<1000000x64xf32, #tpu.memory_space<hbm>>) dst(%dma_wait3A_144 : memref<80x64xf32, #tpu.memory_space<vmem>>)
      %dma_wait3A_150 = arith.constant 320 : i32
      %dma_wait3A_151 = arith.constant 0 : i32
      %dma_wait3A_152 = tpu.memref_slice %arg7[%dma_wait3A_150, %dma_wait3A_151] : memref<400x64xf32, #tpu.memory_space<vmem>> -> memref<80x64xf32, #tpu.memory_space<vmem>>
      %dma_wait3A_153 = arith.constant 320 : i32
      %dma_wait3A_154 = tpu.memref_slice %arg6[%dma_wait3A_153] : memref<25600xi32, #tpu.memory_space<vmem>> -> memref<80xi32, #tpu.memory_space<vmem>>
      %dma_wait3A_155 = arith.constant 0 : i32
      %dma_wait3A_156 = arith.constant 0 : i32
      %dma_wait3A_157 = tpu.memref_slice %arg3[%dma_wait3A_155, %dma_wait3A_156] : memref<1000000x64xf32, #tpu.memory_space<hbm>> -> memref<1000000x64xf32, #tpu.memory_space<hbm>>
      tpu.wait_indirect_dma semaphore(%arg10 : memref<!tpu.dma_semaphore, #tpu.memory_space<semaphore_mem>>) src(%dma_wait3A_157 : memref<1000000x64xf32, #tpu.memory_space<hbm>>) dst(%dma_wait3A_152 : memref<80x64xf32, #tpu.memory_space<vmem>>)
      %scan3A_158 = arith.constant 0 : i32
      %scan3A_159 = arith.constant 0 : i32
      %scan3A_160 = arith.constant 200 : i32
      %scan3A_161 = arith.addi %scan3A_159, %scan3A_160 : i32
      %scan3A_162 = arith.constant 1 : i32
      scf.for %scan3A_230 = %scan3A_159 to %scan3A_161 step %scan3A_162  : i32 {
        %add3A_231 = arith.constant 0 : i32
        %add3A_232 = arith.addi %add3A_231, %scan3A_230 : i32
        %get3A = arith.index_cast %add3A_232 : i32 to index
        %get3A_233 = arith.constant 0 : index
        %get3A_234 = tpu.vector_load %arg7[%get3A, %get3A_233] {strides = array<i32>} : memref<400x64xf32, #tpu.memory_space<vmem>>, vector<1x16xf32>,
        %get3A_235 = vector.shape_cast %get3A_234 : vector<1x16xf32> to vector<16xf32>
        %get3A_236 = arith.index_cast %scan3A_230 : i32 to index
        %get3A_237 = arith.constant 0 : index
        %get3A_238 = tpu.vector_load %arg9[%get3A_236, %get3A_237] {strides = array<i32>} : memref<200x64xf32, #tpu.memory_space<vmem>>, vector<1x16xf32>,
        %get3A_239 = vector.shape_cast %get3A_238 : vector<1x16xf32> to vector<16xf32>
        %add3A_240 = arith.addf %get3A_235, %get3A_239 : vector<16xf32>
        %swap3A = arith.index_cast %add3A_232 : i32 to index
        %swap3A_241 = arith.constant 0 : index
        %swap3A_242 = tpu.vector_load %arg7[%swap3A, %swap3A_241] {strides = array<i32>} : memref<400x64xf32, #tpu.memory_space<vmem>>, vector<1x16xf32>,
        %swap3A_243 = vector.shape_cast %swap3A_242 : vector<1x16xf32> to vector<16xf32>
        %swap3A_244 = vector.shape_cast %add3A_240 : vector<16xf32> to vector<1x16xf32>
        tpu.vector_store %arg7[%swap3A, %swap3A_241], %swap3A_244 {strides = array<i32>} : memref<400x64xf32, #tpu.memory_space<vmem>>, vector<1x16xf32>,
        %get3A_245 = arith.index_cast %add3A_232 : i32 to index
        %get3A_246 = arith.constant 16 : index
        %get3A_247 = tpu.vector_load %arg7[%get3A_245, %get3A_246] {strides = array<i32>} : memref<400x64xf32, #tpu.memory_space<vmem>>, vector<1x16xf32>,
        %get3A_248 = vector.shape_cast %get3A_247 : vector<1x16xf32> to vector<16xf32>
        %get3A_249 = arith.index_cast %scan3A_230 : i32 to index
        %get3A_250 = arith.constant 16 : index
        %get3A_251 = tpu.vector_load %arg9[%get3A_249, %get3A_250] {strides = array<i32>} : memref<200x64xf32, #tpu.memory_space<vmem>>, vector<1x16xf32>,
        %get3A_252 = vector.shape_cast %get3A_251 : vector<1x16xf32> to vector<16xf32>
        %add3A_253 = arith.addf %get3A_248, %get3A_252 : vector<16xf32>
        %swap3A_254 = arith.index_cast %add3A_232 : i32 to index
        %swap3A_255 = arith.constant 16 : index
        %swap3A_256 = tpu.vector_load %arg7[%swap3A_254, %swap3A_255] {strides = array<i32>} : memref<400x64xf32, #tpu.memory_space<vmem>>, vector<1x16xf32>,
        %swap3A_257 = vector.shape_cast %swap3A_256 : vector<1x16xf32> to vector<16xf32>
        %swap3A_258 = vector.shape_cast %add3A_253 : vector<16xf32> to vector<1x16xf32>
        tpu.vector_store %arg7[%swap3A_254, %swap3A_255], %swap3A_258 {strides = array<i32>} : memref<400x64xf32, #tpu.memory_space<vmem>>, vector<1x16xf32>,
        %get3A_259 = arith.index_cast %add3A_232 : i32 to index
        %get3A_260 = arith.constant 32 : index
        %get3A_261 = tpu.vector_load %arg7[%get3A_259, %get3A_260] {strides = array<i32>} : memref<400x64xf32, #tpu.memory_space<vmem>>, vector<1x16xf32>,
        %get3A_262 = vector.shape_cast %get3A_261 : vector<1x16xf32> to vector<16xf32>
        %get3A_263 = arith.index_cast %scan3A_230 : i32 to index
        %get3A_264 = arith.constant 32 : index
        %get3A_265 = tpu.vector_load %arg9[%get3A_263, %get3A_264] {strides = array<i32>} : memref<200x64xf32, #tpu.memory_space<vmem>>, vector<1x16xf32>,
        %get3A_266 = vector.shape_cast %get3A_265 : vector<1x16xf32> to vector<16xf32>
        %add3A_267 = arith.addf %get3A_262, %get3A_266 : vector<16xf32>
        %swap3A_268 = arith.index_cast %add3A_232 : i32 to index
        %swap3A_269 = arith.constant 32 : index
        %swap3A_270 = tpu.vector_load %arg7[%swap3A_268, %swap3A_269] {strides = array<i32>} : memref<400x64xf32, #tpu.memory_space<vmem>>, vector<1x16xf32>,
        %swap3A_271 = vector.shape_cast %swap3A_270 : vector<1x16xf32> to vector<16xf32>
        %swap3A_272 = vector.shape_cast %add3A_267 : vector<16xf32> to vector<1x16xf32>
        tpu.vector_store %arg7[%swap3A_268, %swap3A_269], %swap3A_272 {strides = array<i32>} : memref<400x64xf32, #tpu.memory_space<vmem>>, vector<1x16xf32>,
        %get3A_273 = arith.index_cast %add3A_232 : i32 to index
        %get3A_274 = arith.constant 48 : index
        %get3A_275 = tpu.vector_load %arg7[%get3A_273, %get3A_274] {strides = array<i32>} : memref<400x64xf32, #tpu.memory_space<vmem>>, vector<1x16xf32>,
        %get3A_276 = vector.shape_cast %get3A_275 : vector<1x16xf32> to vector<16xf32>
        %get3A_277 = arith.index_cast %scan3A_230 : i32 to index
        %get3A_278 = arith.constant 48 : index
        %get3A_279 = tpu.vector_load %arg9[%get3A_277, %get3A_278] {strides = array<i32>} : memref<200x64xf32, #tpu.memory_space<vmem>>, vector<1x16xf32>,
        %get3A_280 = vector.shape_cast %get3A_279 : vector<1x16xf32> to vector<16xf32>
        %add3A_281 = arith.addf %get3A_276, %get3A_280 : vector<16xf32>
        %swap3A_282 = arith.index_cast %add3A_232 : i32 to index
        %swap3A_283 = arith.constant 48 : index
        %swap3A_284 = tpu.vector_load %arg7[%swap3A_282, %swap3A_283] {strides = array<i32>} : memref<400x64xf32, #tpu.memory_space<vmem>>, vector<1x16xf32>,
        %swap3A_285 = vector.shape_cast %swap3A_284 : vector<1x16xf32> to vector<16xf32>
        %swap3A_286 = vector.shape_cast %add3A_281 : vector<16xf32> to vector<1x16xf32>
        tpu.vector_store %arg7[%swap3A_282, %swap3A_283], %swap3A_286 {strides = array<i32>} : memref<400x64xf32, #tpu.memory_space<vmem>>, vector<1x16xf32>,
        %add3A_287 = arith.constant 200 : i32
        %add3A_288 = arith.addi %add3A_287, %scan3A_230 : i32
        %get3A_289 = arith.index_cast %add3A_288 : i32 to index
        %get3A_290 = arith.constant 0 : index
        %get3A_291 = tpu.vector_load %arg7[%get3A_289, %get3A_290] {strides = array<i32>} : memref<400x64xf32, #tpu.memory_space<vmem>>, vector<1x16xf32>,
        %get3A_292 = vector.shape_cast %get3A_291 : vector<1x16xf32> to vector<16xf32>
        %get3A_293 = arith.index_cast %scan3A_230 : i32 to index
        %get3A_294 = arith.constant 0 : index
        %get3A_295 = tpu.vector_load %arg9[%get3A_293, %get3A_294] {strides = array<i32>} : memref<200x64xf32, #tpu.memory_space<vmem>>, vector<1x16xf32>,
        %get3A_296 = vector.shape_cast %get3A_295 : vector<1x16xf32> to vector<16xf32>
        %add3A_297 = arith.addf %get3A_292, %get3A_296 : vector<16xf32>
        %swap3A_298 = arith.index_cast %add3A_288 : i32 to index
        %swap3A_299 = arith.constant 0 : index
        %swap3A_300 = tpu.vector_load %arg7[%swap3A_298, %swap3A_299] {strides = array<i32>} : memref<400x64xf32, #tpu.memory_space<vmem>>, vector<1x16xf32>,
        %swap3A_301 = vector.shape_cast %swap3A_300 : vector<1x16xf32> to vector<16xf32>
        %swap3A_302 = vector.shape_cast %add3A_297 : vector<16xf32> to vector<1x16xf32>
        tpu.vector_store %arg7[%swap3A_298, %swap3A_299], %swap3A_302 {strides = array<i32>} : memref<400x64xf32, #tpu.memory_space<vmem>>, vector<1x16xf32>,
        %get3A_303 = arith.index_cast %add3A_288 : i32 to index
        %get3A_304 = arith.constant 16 : index
        %get3A_305 = tpu.vector_load %arg7[%get3A_303, %get3A_304] {strides = array<i32>} : memref<400x64xf32, #tpu.memory_space<vmem>>, vector<1x16xf32>,
        %get3A_306 = vector.shape_cast %get3A_305 : vector<1x16xf32> to vector<16xf32>
        %get3A_307 = arith.index_cast %scan3A_230 : i32 to index
        %get3A_308 = arith.constant 16 : index
        %get3A_309 = tpu.vector_load %arg9[%get3A_307, %get3A_308] {strides = array<i32>} : memref<200x64xf32, #tpu.memory_space<vmem>>, vector<1x16xf32>,
        %get3A_310 = vector.shape_cast %get3A_309 : vector<1x16xf32> to vector<16xf32>
        %add3A_311 = arith.addf %get3A_306, %get3A_310 : vector<16xf32>
        %swap3A_312 = arith.index_cast %add3A_288 : i32 to index
        %swap3A_313 = arith.constant 16 : index
        %swap3A_314 = tpu.vector_load %arg7[%swap3A_312, %swap3A_313] {strides = array<i32>} : memref<400x64xf32, #tpu.memory_space<vmem>>, vector<1x16xf32>,
        %swap3A_315 = vector.shape_cast %swap3A_314 : vector<1x16xf32> to vector<16xf32>
        %swap3A_316 = vector.shape_cast %add3A_311 : vector<16xf32> to vector<1x16xf32>
        tpu.vector_store %arg7[%swap3A_312, %swap3A_313], %swap3A_316 {strides = array<i32>} : memref<400x64xf32, #tpu.memory_space<vmem>>, vector<1x16xf32>,
        %get3A_317 = arith.index_cast %add3A_288 : i32 to index
        %get3A_318 = arith.constant 32 : index
        %get3A_319 = tpu.vector_load %arg7[%get3A_317, %get3A_318] {strides = array<i32>} : memref<400x64xf32, #tpu.memory_space<vmem>>, vector<1x16xf32>,
        %get3A_320 = vector.shape_cast %get3A_319 : vector<1x16xf32> to vector<16xf32>
        %get3A_321 = arith.index_cast %scan3A_230 : i32 to index
        %get3A_322 = arith.constant 32 : index
        %get3A_323 = tpu.vector_load %arg9[%get3A_321, %get3A_322] {strides = array<i32>} : memref<200x64xf32, #tpu.memory_space<vmem>>, vector<1x16xf32>,
        %get3A_324 = vector.shape_cast %get3A_323 : vector<1x16xf32> to vector<16xf32>
        %add3A_325 = arith.addf %get3A_320, %get3A_324 : vector<16xf32>
        %swap3A_326 = arith.index_cast %add3A_288 : i32 to index
        %swap3A_327 = arith.constant 32 : index
        %swap3A_328 = tpu.vector_load %arg7[%swap3A_326, %swap3A_327] {strides = array<i32>} : memref<400x64xf32, #tpu.memory_space<vmem>>, vector<1x16xf32>,
        %swap3A_329 = vector.shape_cast %swap3A_328 : vector<1x16xf32> to vector<16xf32>
        %swap3A_330 = vector.shape_cast %add3A_325 : vector<16xf32> to vector<1x16xf32>
        tpu.vector_store %arg7[%swap3A_326, %swap3A_327], %swap3A_330 {strides = array<i32>} : memref<400x64xf32, #tpu.memory_space<vmem>>, vector<1x16xf32>,
        %get3A_331 = arith.index_cast %add3A_288 : i32 to index
        %get3A_332 = arith.constant 48 : index
        %get3A_333 = tpu.vector_load %arg7[%get3A_331, %get3A_332] {strides = array<i32>} : memref<400x64xf32, #tpu.memory_space<vmem>>, vector<1x16xf32>,
        %get3A_334 = vector.shape_cast %get3A_333 : vector<1x16xf32> to vector<16xf32>
        %get3A_335 = arith.index_cast %scan3A_230 : i32 to index
        %get3A_336 = arith.constant 48 : index
        %get3A_337 = tpu.vector_load %arg9[%get3A_335, %get3A_336] {strides = array<i32>} : memref<200x64xf32, #tpu.memory_space<vmem>>, vector<1x16xf32>,
        %get3A_338 = vector.shape_cast %get3A_337 : vector<1x16xf32> to vector<16xf32>
        %add3A_339 = arith.addf %get3A_334, %get3A_338 : vector<16xf32>
        %swap3A_340 = arith.index_cast %add3A_288 : i32 to index
        %swap3A_341 = arith.constant 48 : index
        %swap3A_342 = tpu.vector_load %arg7[%swap3A_340, %swap3A_341] {strides = array<i32>} : memref<400x64xf32, #tpu.memory_space<vmem>>, vector<1x16xf32>,
        %swap3A_343 = vector.shape_cast %swap3A_342 : vector<1x16xf32> to vector<16xf32>
        %swap3A_344 = vector.shape_cast %add3A_339 : vector<16xf32> to vector<1x16xf32>
        tpu.vector_store %arg7[%swap3A_340, %swap3A_341], %swap3A_344 {strides = array<i32>} : memref<400x64xf32, #tpu.memory_space<vmem>>, vector<1x16xf32>,
      }
      %scan3A_163 = arith.constant 200 : i32
      %mul3A_164 = arith.constant 400 : i32
      %mul3A_165 = arith.muli %mul3A_56, %mul3A_164 : i32
      %add3A_166 = arith.addi %mul3A_2, %mul3A_165 : i32
      %dma_start3A_167 = arith.constant 0 : i32
      %dma_start3A_168 = tpu.memref_slice %arg5[%add3A_166, %dma_start3A_167] : memref<819200x128xf32, #tpu.memory_space<hbm>> -> memref<400x64xf32, #tpu.memory_space<hbm>>
      %dma_start3A_169 = arith.constant 0 : i32
      %dma_start3A_170 = tpu.memref_slice %arg5[%add3A_166, %dma_start3A_169] : memref<819200x128xf32, #tpu.memory_space<hbm>> -> memref<400x64xf32, #tpu.memory_space<hbm>>
      tpu.enqueue_dma source(%arg7 : memref<400x64xf32, #tpu.memory_space<vmem>>) target(%dma_start3A_170 : memref<400x64xf32, #tpu.memory_space<hbm>>) target_semaphore(%arg12 : memref<!tpu.dma_semaphore, #tpu.memory_space<semaphore_mem>>)
      %add3A_171 = arith.constant 1 : i32
      %add3A_172 = arith.addi %scan3A_54, %add3A_171 : i32
      %lt3A = arith.constant 32 : i32
      %lt3A_173 = arith.cmpi slt, %add3A_172, %lt3A : i32
      %convert_element_type3A_174 = arith.extui %lt3A_173 : i1 to i32
      %cond3A_175 = arith.constant 0 : i32
      %cond3A_176 = arith.cmpi ne, %convert_element_type3A_174, %cond3A_175 : i32
      scf.if %cond3A_176 {
        %dma_wait3A_230 = arith.constant 0 : i32
        %dma_wait3A_231 = tpu.memref_slice %arg5[%mul3A_2, %dma_wait3A_230] : memref<819200x128xf32, #tpu.memory_space<hbm>> -> memref<400x64xf32, #tpu.memory_space<hbm>>
        %dma_wait3A_232 = arith.constant 0 : i32
        %dma_wait3A_233 = tpu.memref_slice %arg5[%mul3A_2, %dma_wait3A_232] : memref<819200x128xf32, #tpu.memory_space<hbm>> -> memref<400x64xf32, #tpu.memory_space<hbm>>
        tpu.wait_dma2 semaphore(%arg12 : memref<!tpu.dma_semaphore, #tpu.memory_space<semaphore_mem>>) src(%arg7 : memref<400x64xf32, #tpu.memory_space<vmem>>) dst(%dma_wait3A_233 : memref<400x64xf32, #tpu.memory_space<hbm>>)
        %add3A_234 = arith.constant 2 : i32
        %add3A_235 = arith.addi %mul3A_56, %add3A_234 : i32
        %mul3A_236 = arith.constant 400 : i32
        %mul3A_237 = arith.muli %add3A_235, %mul3A_236 : i32
        %add3A_238 = arith.constant 0 : i32
        %add3A_239 = arith.addi %mul3A_237, %add3A_238 : i32
        %dma_start3A_240 = arith.constant 0 : i32
        %dma_start3A_241 = arith.constant 0 : i32
        %dma_start3A_242 = tpu.memref_slice %arg7[%dma_start3A_240, %dma_start3A_241] : memref<400x64xf32, #tpu.memory_space<vmem>> -> memref<80x64xf32, #tpu.memory_space<vmem>>
        %dma_start3A_243 = tpu.memref_slice %arg6[%add3A_239] : memref<25600xi32, #tpu.memory_space<vmem>> -> memref<80xi32, #tpu.memory_space<vmem>>
        %dma_start3A_244 = arith.constant 0 : i32
        %dma_start3A_245 = arith.constant 0 : i32
        %dma_start3A_246 = tpu.memref_slice %arg3[%dma_start3A_244, %dma_start3A_245] : memref<1000000x64xf32, #tpu.memory_space<hbm>> -> memref<1000000x64xf32, #tpu.memory_space<hbm>>
        tpu.enqueue_indirect_dma source(%dma_start3A_246 : memref<1000000x64xf32, #tpu.memory_space<hbm>>) target(%dma_start3A_242 : memref<80x64xf32, #tpu.memory_space<vmem>>) offsets(%dma_start3A_243 : memref<80xi32, #tpu.memory_space<vmem>>) semaphore(%arg10 : memref<!tpu.dma_semaphore, #tpu.memory_space<semaphore_mem>>)
        %mul3A_247 = arith.constant 400 : i32
        %mul3A_248 = arith.muli %add3A_235, %mul3A_247 : i32
        %add3A_249 = arith.constant 80 : i32
        %add3A_250 = arith.addi %mul3A_248, %add3A_249 : i32
        %dma_start3A_251 = arith.constant 80 : i32
        %dma_start3A_252 = arith.constant 0 : i32
        %dma_start3A_253 = tpu.memref_slice %arg7[%dma_start3A_251, %dma_start3A_252] : memref<400x64xf32, #tpu.memory_space<vmem>> -> memref<80x64xf32, #tpu.memory_space<vmem>>
        %dma_start3A_254 = tpu.memref_slice %arg6[%add3A_250] : memref<25600xi32, #tpu.memory_space<vmem>> -> memref<80xi32, #tpu.memory_space<vmem>>
        %dma_start3A_255 = arith.constant 0 : i32
        %dma_start3A_256 = arith.constant 0 : i32
        %dma_start3A_257 = tpu.memref_slice %arg3[%dma_start3A_255, %dma_start3A_256] : memref<1000000x64xf32, #tpu.memory_space<hbm>> -> memref<1000000x64xf32, #tpu.memory_space<hbm>>
        tpu.enqueue_indirect_dma source(%dma_start3A_257 : memref<1000000x64xf32, #tpu.memory_space<hbm>>) target(%dma_start3A_253 : memref<80x64xf32, #tpu.memory_space<vmem>>) offsets(%dma_start3A_254 : memref<80xi32, #tpu.memory_space<vmem>>) semaphore(%arg10 : memref<!tpu.dma_semaphore, #tpu.memory_space<semaphore_mem>>)
        %mul3A_258 = arith.constant 400 : i32
        %mul3A_259 = arith.muli %add3A_235, %mul3A_258 : i32
        %add3A_260 = arith.constant 160 : i32
        %add3A_261 = arith.addi %mul3A_259, %add3A_260 : i32
        %dma_start3A_262 = arith.constant 160 : i32
        %dma_start3A_263 = arith.constant 0 : i32
        %dma_start3A_264 = tpu.memref_slice %arg7[%dma_start3A_262, %dma_start3A_263] : memref<400x64xf32, #tpu.memory_space<vmem>> -> memref<80x64xf32, #tpu.memory_space<vmem>>
        %dma_start3A_265 = tpu.memref_slice %arg6[%add3A_261] : memref<25600xi32, #tpu.memory_space<vmem>> -> memref<80xi32, #tpu.memory_space<vmem>>
        %dma_start3A_266 = arith.constant 0 : i32
        %dma_start3A_267 = arith.constant 0 : i32
        %dma_start3A_268 = tpu.memref_slice %arg3[%dma_start3A_266, %dma_start3A_267] : memref<1000000x64xf32, #tpu.memory_space<hbm>> -> memref<1000000x64xf32, #tpu.memory_space<hbm>>
        tpu.enqueue_indirect_dma source(%dma_start3A_268 : memref<1000000x64xf32, #tpu.memory_space<hbm>>) target(%dma_start3A_264 : memref<80x64xf32, #tpu.memory_space<vmem>>) offsets(%dma_start3A_265 : memref<80xi32, #tpu.memory_space<vmem>>) semaphore(%arg10 : memref<!tpu.dma_semaphore, #tpu.memory_space<semaphore_mem>>)
        %mul3A_269 = arith.constant 400 : i32
        %mul3A_270 = arith.muli %add3A_235, %mul3A_269 : i32
        %add3A_271 = arith.constant 240 : i32
        %add3A_272 = arith.addi %mul3A_270, %add3A_271 : i32
        %dma_start3A_273 = arith.constant 240 : i32
        %dma_start3A_274 = arith.constant 0 : i32
        %dma_start3A_275 = tpu.memref_slice %arg7[%dma_start3A_273, %dma_start3A_274] : memref<400x64xf32, #tpu.memory_space<vmem>> -> memref<80x64xf32, #tpu.memory_space<vmem>>
        %dma_start3A_276 = tpu.memref_slice %arg6[%add3A_272] : memref<25600xi32, #tpu.memory_space<vmem>> -> memref<80xi32, #tpu.memory_space<vmem>>
        %dma_start3A_277 = arith.constant 0 : i32
        %dma_start3A_278 = arith.constant 0 : i32
        %dma_start3A_279 = tpu.memref_slice %arg3[%dma_start3A_277, %dma_start3A_278] : memref<1000000x64xf32, #tpu.memory_space<hbm>> -> memref<1000000x64xf32, #tpu.memory_space<hbm>>
        tpu.enqueue_indirect_dma source(%dma_start3A_279 : memref<1000000x64xf32, #tpu.memory_space<hbm>>) target(%dma_start3A_275 : memref<80x64xf32, #tpu.memory_space<vmem>>) offsets(%dma_start3A_276 : memref<80xi32, #tpu.memory_space<vmem>>) semaphore(%arg10 : memref<!tpu.dma_semaphore, #tpu.memory_space<semaphore_mem>>)
        %mul3A_280 = arith.constant 400 : i32
        %mul3A_281 = arith.muli %add3A_235, %mul3A_280 : i32
        %add3A_282 = arith.constant 320 : i32
        %add3A_283 = arith.addi %mul3A_281, %add3A_282 : i32
        %dma_start3A_284 = arith.constant 320 : i32
        %dma_start3A_285 = arith.constant 0 : i32
        %dma_start3A_286 = tpu.memref_slice %arg7[%dma_start3A_284, %dma_start3A_285] : memref<400x64xf32, #tpu.memory_space<vmem>> -> memref<80x64xf32, #tpu.memory_space<vmem>>
        %dma_start3A_287 = tpu.memref_slice %arg6[%add3A_283] : memref<25600xi32, #tpu.memory_space<vmem>> -> memref<80xi32, #tpu.memory_space<vmem>>
        %dma_start3A_288 = arith.constant 0 : i32
        %dma_start3A_289 = arith.constant 0 : i32
        %dma_start3A_290 = tpu.memref_slice %arg3[%dma_start3A_288, %dma_start3A_289] : memref<1000000x64xf32, #tpu.memory_space<hbm>> -> memref<1000000x64xf32, #tpu.memory_space<hbm>>
        tpu.enqueue_indirect_dma source(%dma_start3A_290 : memref<1000000x64xf32, #tpu.memory_space<hbm>>) target(%dma_start3A_286 : memref<80x64xf32, #tpu.memory_space<vmem>>) offsets(%dma_start3A_287 : memref<80xi32, #tpu.memory_space<vmem>>) semaphore(%arg10 : memref<!tpu.dma_semaphore, #tpu.memory_space<semaphore_mem>>)
      } else {
      }
      %dma_wait3A_177 = arith.constant 0 : i32
      %dma_wait3A_178 = arith.constant 0 : i32
      %dma_wait3A_179 = tpu.memref_slice %arg8[%dma_wait3A_177, %dma_wait3A_178] : memref<400x64xf32, #tpu.memory_space<vmem>> -> memref<80x64xf32, #tpu.memory_space<vmem>>
      %dma_wait3A_180 = arith.constant 0 : i32
      %dma_wait3A_181 = tpu.memref_slice %arg6[%dma_wait3A_180] : memref<25600xi32, #tpu.memory_space<vmem>> -> memref<80xi32, #tpu.memory_space<vmem>>
      %dma_wait3A_182 = arith.constant 0 : i32
      %dma_wait3A_183 = arith.constant 0 : i32
      %dma_wait3A_184 = tpu.memref_slice %arg3[%dma_wait3A_182, %dma_wait3A_183] : memref<1000000x64xf32, #tpu.memory_space<hbm>> -> memref<1000000x64xf32, #tpu.memory_space<hbm>>
      tpu.wait_indirect_dma semaphore(%arg11 : memref<!tpu.dma_semaphore, #tpu.memory_space<semaphore_mem>>) src(%dma_wait3A_184 : memref<1000000x64xf32, #tpu.memory_space<hbm>>) dst(%dma_wait3A_179 : memref<80x64xf32, #tpu.memory_space<vmem>>)
      %dma_wait3A_185 = arith.constant 80 : i32
      %dma_wait3A_186 = arith.constant 0 : i32
      %dma_wait3A_187 = tpu.memref_slice %arg8[%dma_wait3A_185, %dma_wait3A_186] : memref<400x64xf32, #tpu.memory_space<vmem>> -> memref<80x64xf32, #tpu.memory_space<vmem>>
      %dma_wait3A_188 = arith.constant 80 : i32
      %dma_wait3A_189 = tpu.memref_slice %arg6[%dma_wait3A_188] : memref<25600xi32, #tpu.memory_space<vmem>> -> memref<80xi32, #tpu.memory_space<vmem>>
      %dma_wait3A_190 = arith.constant 0 : i32
      %dma_wait3A_191 = arith.constant 0 : i32
      %dma_wait3A_192 = tpu.memref_slice %arg3[%dma_wait3A_190, %dma_wait3A_191] : memref<1000000x64xf32, #tpu.memory_space<hbm>> -> memref<1000000x64xf32, #tpu.memory_space<hbm>>
      tpu.wait_indirect_dma semaphore(%arg11 : memref<!tpu.dma_semaphore, #tpu.memory_space<semaphore_mem>>) src(%dma_wait3A_192 : memref<1000000x64xf32, #tpu.memory_space<hbm>>) dst(%dma_wait3A_187 : memref<80x64xf32, #tpu.memory_space<vmem>>)
      %dma_wait3A_193 = arith.constant 160 : i32
      %dma_wait3A_194 = arith.constant 0 : i32
      %dma_wait3A_195 = tpu.memref_slice %arg8[%dma_wait3A_193, %dma_wait3A_194] : memref<400x64xf32, #tpu.memory_space<vmem>> -> memref<80x64xf32, #tpu.memory_space<vmem>>
      %dma_wait3A_196 = arith.constant 160 : i32
      %dma_wait3A_197 = tpu.memref_slice %arg6[%dma_wait3A_196] : memref<25600xi32, #tpu.memory_space<vmem>> -> memref<80xi32, #tpu.memory_space<vmem>>
      %dma_wait3A_198 = arith.constant 0 : i32
      %dma_wait3A_199 = arith.constant 0 : i32
      %dma_wait3A_200 = tpu.memref_slice %arg3[%dma_wait3A_198, %dma_wait3A_199] : memref<1000000x64xf32, #tpu.memory_space<hbm>> -> memref<1000000x64xf32, #tpu.memory_space<hbm>>
      tpu.wait_indirect_dma semaphore(%arg11 : memref<!tpu.dma_semaphore, #tpu.memory_space<semaphore_mem>>) src(%dma_wait3A_200 : memref<1000000x64xf32, #tpu.memory_space<hbm>>) dst(%dma_wait3A_195 : memref<80x64xf32, #tpu.memory_space<vmem>>)
      %dma_wait3A_201 = arith.constant 240 : i32
      %dma_wait3A_202 = arith.constant 0 : i32
      %dma_wait3A_203 = tpu.memref_slice %arg8[%dma_wait3A_201, %dma_wait3A_202] : memref<400x64xf32, #tpu.memory_space<vmem>> -> memref<80x64xf32, #tpu.memory_space<vmem>>
      %dma_wait3A_204 = arith.constant 240 : i32
      %dma_wait3A_205 = tpu.memref_slice %arg6[%dma_wait3A_204] : memref<25600xi32, #tpu.memory_space<vmem>> -> memref<80xi32, #tpu.memory_space<vmem>>
      %dma_wait3A_206 = arith.constant 0 : i32
      %dma_wait3A_207 = arith.constant 0 : i32
      %dma_wait3A_208 = tpu.memref_slice %arg3[%dma_wait3A_206, %dma_wait3A_207] : memref<1000000x64xf32, #tpu.memory_space<hbm>> -> memref<1000000x64xf32, #tpu.memory_space<hbm>>
      tpu.wait_indirect_dma semaphore(%arg11 : memref<!tpu.dma_semaphore, #tpu.memory_space<semaphore_mem>>) src(%dma_wait3A_208 : memref<1000000x64xf32, #tpu.memory_space<hbm>>) dst(%dma_wait3A_203 : memref<80x64xf32, #tpu.memory_space<vmem>>)
      %dma_wait3A_209 = arith.constant 320 : i32
      %dma_wait3A_210 = arith.constant 0 : i32
      %dma_wait3A_211 = tpu.memref_slice %arg8[%dma_wait3A_209, %dma_wait3A_210] : memref<400x64xf32, #tpu.memory_space<vmem>> -> memref<80x64xf32, #tpu.memory_space<vmem>>
      %dma_wait3A_212 = arith.constant 320 : i32
      %dma_wait3A_213 = tpu.memref_slice %arg6[%dma_wait3A_212] : memref<25600xi32, #tpu.memory_space<vmem>> -> memref<80xi32, #tpu.memory_space<vmem>>
      %dma_wait3A_214 = arith.constant 0 : i32
      %dma_wait3A_215 = arith.constant 0 : i32
      %dma_wait3A_216 = tpu.memref_slice %arg3[%dma_wait3A_214, %dma_wait3A_215] : memref<1000000x64xf32, #tpu.memory_space<hbm>> -> memref<1000000x64xf32, #tpu.memory_space<hbm>>
      tpu.wait_indirect_dma semaphore(%arg11 : memref<!tpu.dma_semaphore, #tpu.memory_space<semaphore_mem>>) src(%dma_wait3A_216 : memref<1000000x64xf32, #tpu.memory_space<hbm>>) dst(%dma_wait3A_211 : memref<80x64xf32, #tpu.memory_space<vmem>>)
      %scan3A_217 = arith.constant 0 : i32
      %scan3A_218 = arith.constant 0 : i32
      %scan3A_219 = arith.constant 200 : i32
      %scan3A_220 = arith.addi %scan3A_218, %scan3A_219 : i32
      %scan3A_221 = arith.constant 1 : i32
      scf.for %scan3A_230 = %scan3A_218 to %scan3A_220 step %scan3A_221  : i32 {
        %add3A_231 = arith.constant 0 : i32
        %add3A_232 = arith.addi %add3A_231, %scan3A_230 : i32
        %get3A = arith.index_cast %add3A_232 : i32 to index
        %get3A_233 = arith.constant 0 : index
        %get3A_234 = tpu.vector_load %arg8[%get3A, %get3A_233] {strides = array<i32>} : memref<400x64xf32, #tpu.memory_space<vmem>>, vector<1x16xf32>,
        %get3A_235 = vector.shape_cast %get3A_234 : vector<1x16xf32> to vector<16xf32>
        %get3A_236 = arith.index_cast %scan3A_230 : i32 to index
        %get3A_237 = arith.constant 0 : index
        %get3A_238 = tpu.vector_load %arg9[%get3A_236, %get3A_237] {strides = array<i32>} : memref<200x64xf32, #tpu.memory_space<vmem>>, vector<1x16xf32>,
        %get3A_239 = vector.shape_cast %get3A_238 : vector<1x16xf32> to vector<16xf32>
        %add3A_240 = arith.addf %get3A_235, %get3A_239 : vector<16xf32>
        %swap3A = arith.index_cast %add3A_232 : i32 to index
        %swap3A_241 = arith.constant 0 : index
        %swap3A_242 = tpu.vector_load %arg8[%swap3A, %swap3A_241] {strides = array<i32>} : memref<400x64xf32, #tpu.memory_space<vmem>>, vector<1x16xf32>,
        %swap3A_243 = vector.shape_cast %swap3A_242 : vector<1x16xf32> to vector<16xf32>
        %swap3A_244 = vector.shape_cast %add3A_240 : vector<16xf32> to vector<1x16xf32>
        tpu.vector_store %arg8[%swap3A, %swap3A_241], %swap3A_244 {strides = array<i32>} : memref<400x64xf32, #tpu.memory_space<vmem>>, vector<1x16xf32>,
        %get3A_245 = arith.index_cast %add3A_232 : i32 to index
        %get3A_246 = arith.constant 16 : index
        %get3A_247 = tpu.vector_load %arg8[%get3A_245, %get3A_246] {strides = array<i32>} : memref<400x64xf32, #tpu.memory_space<vmem>>, vector<1x16xf32>,
        %get3A_248 = vector.shape_cast %get3A_247 : vector<1x16xf32> to vector<16xf32>
        %get3A_249 = arith.index_cast %scan3A_230 : i32 to index
        %get3A_250 = arith.constant 16 : index
        %get3A_251 = tpu.vector_load %arg9[%get3A_249, %get3A_250] {strides = array<i32>} : memref<200x64xf32, #tpu.memory_space<vmem>>, vector<1x16xf32>,
        %get3A_252 = vector.shape_cast %get3A_251 : vector<1x16xf32> to vector<16xf32>
        %add3A_253 = arith.addf %get3A_248, %get3A_252 : vector<16xf32>
        %swap3A_254 = arith.index_cast %add3A_232 : i32 to index
        %swap3A_255 = arith.constant 16 : index
        %swap3A_256 = tpu.vector_load %arg8[%swap3A_254, %swap3A_255] {strides = array<i32>} : memref<400x64xf32, #tpu.memory_space<vmem>>, vector<1x16xf32>,
        %swap3A_257 = vector.shape_cast %swap3A_256 : vector<1x16xf32> to vector<16xf32>
        %swap3A_258 = vector.shape_cast %add3A_253 : vector<16xf32> to vector<1x16xf32>
        tpu.vector_store %arg8[%swap3A_254, %swap3A_255], %swap3A_258 {strides = array<i32>} : memref<400x64xf32, #tpu.memory_space<vmem>>, vector<1x16xf32>,
        %get3A_259 = arith.index_cast %add3A_232 : i32 to index
        %get3A_260 = arith.constant 32 : index
        %get3A_261 = tpu.vector_load %arg8[%get3A_259, %get3A_260] {strides = array<i32>} : memref<400x64xf32, #tpu.memory_space<vmem>>, vector<1x16xf32>,
        %get3A_262 = vector.shape_cast %get3A_261 : vector<1x16xf32> to vector<16xf32>
        %get3A_263 = arith.index_cast %scan3A_230 : i32 to index
        %get3A_264 = arith.constant 32 : index
        %get3A_265 = tpu.vector_load %arg9[%get3A_263, %get3A_264] {strides = array<i32>} : memref<200x64xf32, #tpu.memory_space<vmem>>, vector<1x16xf32>,
        %get3A_266 = vector.shape_cast %get3A_265 : vector<1x16xf32> to vector<16xf32>
        %add3A_267 = arith.addf %get3A_262, %get3A_266 : vector<16xf32>
        %swap3A_268 = arith.index_cast %add3A_232 : i32 to index
        %swap3A_269 = arith.constant 32 : index
        %swap3A_270 = tpu.vector_load %arg8[%swap3A_268, %swap3A_269] {strides = array<i32>} : memref<400x64xf32, #tpu.memory_space<vmem>>, vector<1x16xf32>,
        %swap3A_271 = vector.shape_cast %swap3A_270 : vector<1x16xf32> to vector<16xf32>
        %swap3A_272 = vector.shape_cast %add3A_267 : vector<16xf32> to vector<1x16xf32>
        tpu.vector_store %arg8[%swap3A_268, %swap3A_269], %swap3A_272 {strides = array<i32>} : memref<400x64xf32, #tpu.memory_space<vmem>>, vector<1x16xf32>,
        %get3A_273 = arith.index_cast %add3A_232 : i32 to index
        %get3A_274 = arith.constant 48 : index
        %get3A_275 = tpu.vector_load %arg8[%get3A_273, %get3A_274] {strides = array<i32>} : memref<400x64xf32, #tpu.memory_space<vmem>>, vector<1x16xf32>,
        %get3A_276 = vector.shape_cast %get3A_275 : vector<1x16xf32> to vector<16xf32>
        %get3A_277 = arith.index_cast %scan3A_230 : i32 to index
        %get3A_278 = arith.constant 48 : index
        %get3A_279 = tpu.vector_load %arg9[%get3A_277, %get3A_278] {strides = array<i32>} : memref<200x64xf32, #tpu.memory_space<vmem>>, vector<1x16xf32>,
        %get3A_280 = vector.shape_cast %get3A_279 : vector<1x16xf32> to vector<16xf32>
        %add3A_281 = arith.addf %get3A_276, %get3A_280 : vector<16xf32>
        %swap3A_282 = arith.index_cast %add3A_232 : i32 to index
        %swap3A_283 = arith.constant 48 : index
        %swap3A_284 = tpu.vector_load %arg8[%swap3A_282, %swap3A_283] {strides = array<i32>} : memref<400x64xf32, #tpu.memory_space<vmem>>, vector<1x16xf32>,
        %swap3A_285 = vector.shape_cast %swap3A_284 : vector<1x16xf32> to vector<16xf32>
        %swap3A_286 = vector.shape_cast %add3A_281 : vector<16xf32> to vector<1x16xf32>
        tpu.vector_store %arg8[%swap3A_282, %swap3A_283], %swap3A_286 {strides = array<i32>} : memref<400x64xf32, #tpu.memory_space<vmem>>, vector<1x16xf32>,
        %add3A_287 = arith.constant 200 : i32
        %add3A_288 = arith.addi %add3A_287, %scan3A_230 : i32
        %get3A_289 = arith.index_cast %add3A_288 : i32 to index
        %get3A_290 = arith.constant 0 : index
        %get3A_291 = tpu.vector_load %arg8[%get3A_289, %get3A_290] {strides = array<i32>} : memref<400x64xf32, #tpu.memory_space<vmem>>, vector<1x16xf32>,
        %get3A_292 = vector.shape_cast %get3A_291 : vector<1x16xf32> to vector<16xf32>
        %get3A_293 = arith.index_cast %scan3A_230 : i32 to index
        %get3A_294 = arith.constant 0 : index
        %get3A_295 = tpu.vector_load %arg9[%get3A_293, %get3A_294] {strides = array<i32>} : memref<200x64xf32, #tpu.memory_space<vmem>>, vector<1x16xf32>,
        %get3A_296 = vector.shape_cast %get3A_295 : vector<1x16xf32> to vector<16xf32>
        %add3A_297 = arith.addf %get3A_292, %get3A_296 : vector<16xf32>
        %swap3A_298 = arith.index_cast %add3A_288 : i32 to index
        %swap3A_299 = arith.constant 0 : index
        %swap3A_300 = tpu.vector_load %arg8[%swap3A_298, %swap3A_299] {strides = array<i32>} : memref<400x64xf32, #tpu.memory_space<vmem>>, vector<1x16xf32>,
        %swap3A_301 = vector.shape_cast %swap3A_300 : vector<1x16xf32> to vector<16xf32>
        %swap3A_302 = vector.shape_cast %add3A_297 : vector<16xf32> to vector<1x16xf32>
        tpu.vector_store %arg8[%swap3A_298, %swap3A_299], %swap3A_302 {strides = array<i32>} : memref<400x64xf32, #tpu.memory_space<vmem>>, vector<1x16xf32>,
        %get3A_303 = arith.index_cast %add3A_288 : i32 to index
        %get3A_304 = arith.constant 16 : index
        %get3A_305 = tpu.vector_load %arg8[%get3A_303, %get3A_304] {strides = array<i32>} : memref<400x64xf32, #tpu.memory_space<vmem>>, vector<1x16xf32>,
        %get3A_306 = vector.shape_cast %get3A_305 : vector<1x16xf32> to vector<16xf32>
        %get3A_307 = arith.index_cast %scan3A_230 : i32 to index
        %get3A_308 = arith.constant 16 : index
        %get3A_309 = tpu.vector_load %arg9[%get3A_307, %get3A_308] {strides = array<i32>} : memref<200x64xf32, #tpu.memory_space<vmem>>, vector<1x16xf32>,
        %get3A_310 = vector.shape_cast %get3A_309 : vector<1x16xf32> to vector<16xf32>
        %add3A_311 = arith.addf %get3A_306, %get3A_310 : vector<16xf32>
        %swap3A_312 = arith.index_cast %add3A_288 : i32 to index
        %swap3A_313 = arith.constant 16 : index
        %swap3A_314 = tpu.vector_load %arg8[%swap3A_312, %swap3A_313] {strides = array<i32>} : memref<400x64xf32, #tpu.memory_space<vmem>>, vector<1x16xf32>,
        %swap3A_315 = vector.shape_cast %swap3A_314 : vector<1x16xf32> to vector<16xf32>
        %swap3A_316 = vector.shape_cast %add3A_311 : vector<16xf32> to vector<1x16xf32>
        tpu.vector_store %arg8[%swap3A_312, %swap3A_313], %swap3A_316 {strides = array<i32>} : memref<400x64xf32, #tpu.memory_space<vmem>>, vector<1x16xf32>,
        %get3A_317 = arith.index_cast %add3A_288 : i32 to index
        %get3A_318 = arith.constant 32 : index
        %get3A_319 = tpu.vector_load %arg8[%get3A_317, %get3A_318] {strides = array<i32>} : memref<400x64xf32, #tpu.memory_space<vmem>>, vector<1x16xf32>,
        %get3A_320 = vector.shape_cast %get3A_319 : vector<1x16xf32> to vector<16xf32>
        %get3A_321 = arith.index_cast %scan3A_230 : i32 to index
        %get3A_322 = arith.constant 32 : index
        %get3A_323 = tpu.vector_load %arg9[%get3A_321, %get3A_322] {strides = array<i32>} : memref<200x64xf32, #tpu.memory_space<vmem>>, vector<1x16xf32>,
        %get3A_324 = vector.shape_cast %get3A_323 : vector<1x16xf32> to vector<16xf32>
        %add3A_325 = arith.addf %get3A_320, %get3A_324 : vector<16xf32>
        %swap3A_326 = arith.index_cast %add3A_288 : i32 to index
        %swap3A_327 = arith.constant 32 : index
        %swap3A_328 = tpu.vector_load %arg8[%swap3A_326, %swap3A_327] {strides = array<i32>} : memref<400x64xf32, #tpu.memory_space<vmem>>, vector<1x16xf32>,
        %swap3A_329 = vector.shape_cast %swap3A_328 : vector<1x16xf32> to vector<16xf32>
        %swap3A_330 = vector.shape_cast %add3A_325 : vector<16xf32> to vector<1x16xf32>
        tpu.vector_store %arg8[%swap3A_326, %swap3A_327], %swap3A_330 {strides = array<i32>} : memref<400x64xf32, #tpu.memory_space<vmem>>, vector<1x16xf32>,
        %get3A_331 = arith.index_cast %add3A_288 : i32 to index
        %get3A_332 = arith.constant 48 : index
        %get3A_333 = tpu.vector_load %arg8[%get3A_331, %get3A_332] {strides = array<i32>} : memref<400x64xf32, #tpu.memory_space<vmem>>, vector<1x16xf32>,
        %get3A_334 = vector.shape_cast %get3A_333 : vector<1x16xf32> to vector<16xf32>
        %get3A_335 = arith.index_cast %scan3A_230 : i32 to index
        %get3A_336 = arith.constant 48 : index
        %get3A_337 = tpu.vector_load %arg9[%get3A_335, %get3A_336] {strides = array<i32>} : memref<200x64xf32, #tpu.memory_space<vmem>>, vector<1x16xf32>,
        %get3A_338 = vector.shape_cast %get3A_337 : vector<1x16xf32> to vector<16xf32>
        %add3A_339 = arith.addf %get3A_334, %get3A_338 : vector<16xf32>
        %swap3A_340 = arith.index_cast %add3A_288 : i32 to index
        %swap3A_341 = arith.constant 48 : index
        %swap3A_342 = tpu.vector_load %arg8[%swap3A_340, %swap3A_341] {strides = array<i32>} : memref<400x64xf32, #tpu.memory_space<vmem>>, vector<1x16xf32>,
        %swap3A_343 = vector.shape_cast %swap3A_342 : vector<1x16xf32> to vector<16xf32>
        %swap3A_344 = vector.shape_cast %add3A_339 : vector<16xf32> to vector<1x16xf32>
        tpu.vector_store %arg8[%swap3A_340, %swap3A_341], %swap3A_344 {strides = array<i32>} : memref<400x64xf32, #tpu.memory_space<vmem>>, vector<1x16xf32>,
      }
      %scan3A_222 = arith.constant 200 : i32
      %mul3A_223 = arith.constant 400 : i32
      %mul3A_224 = arith.muli %add3A_60, %mul3A_223 : i32
      %add3A_225 = arith.addi %mul3A_2, %mul3A_224 : i32
      %dma_start3A_226 = arith.constant 0 : i32
      %dma_start3A_227 = tpu.memref_slice %arg5[%add3A_225, %dma_start3A_226] : memref<819200x128xf32, #tpu.memory_space<hbm>> -> memref<400x64xf32, #tpu.memory_space<hbm>>
      %dma_start3A_228 = arith.constant 0 : i32
      %dma_start3A_229 = tpu.memref_slice %arg5[%add3A_225, %dma_start3A_228] : memref<819200x128xf32, #tpu.memory_space<hbm>> -> memref<400x64xf32, #tpu.memory_space<hbm>>
      tpu.enqueue_dma source(%arg8 : memref<400x64xf32, #tpu.memory_space<vmem>>) target(%dma_start3A_229 : memref<400x64xf32, #tpu.memory_space<hbm>>) target_semaphore(%arg13 : memref<!tpu.dma_semaphore, #tpu.memory_space<semaphore_mem>>)
    }
    %scan3A_46 = arith.constant 32 : i32
    %dma_wait3A = arith.constant 0 : i32
    %dma_wait3A_47 = tpu.memref_slice %arg5[%mul3A_2, %dma_wait3A] : memref<819200x128xf32, #tpu.memory_space<hbm>> -> memref<400x64xf32, #tpu.memory_space<hbm>>
    %dma_wait3A_48 = arith.constant 0 : i32
    %dma_wait3A_49 = tpu.memref_slice %arg5[%mul3A_2, %dma_wait3A_48] : memref<819200x128xf32, #tpu.memory_space<hbm>> -> memref<400x64xf32, #tpu.memory_space<hbm>>
    tpu.wait_dma2 semaphore(%arg12 : memref<!tpu.dma_semaphore, #tpu.memory_space<semaphore_mem>>) src(%arg7 : memref<400x64xf32, #tpu.memory_space<vmem>>) dst(%dma_wait3A_49 : memref<400x64xf32, #tpu.memory_space<hbm>>)
    %dma_wait3A_50 = arith.constant 0 : i32
    %dma_wait3A_51 = tpu.memref_slice %arg5[%mul3A_2, %dma_wait3A_50] : memref<819200x128xf32, #tpu.memory_space<hbm>> -> memref<400x64xf32, #tpu.memory_space<hbm>>
    %dma_wait3A_52 = arith.constant 0 : i32
    %dma_wait3A_53 = tpu.memref_slice %arg5[%mul3A_2, %dma_wait3A_52] : memref<819200x128xf32, #tpu.memory_space<hbm>> -> memref<400x64xf32, #tpu.memory_space<hbm>>
    tpu.wait_dma2 semaphore(%arg13 : memref<!tpu.dma_semaphore, #tpu.memory_space<semaphore_mem>>) src(%arg8 : memref<400x64xf32, #tpu.memory_space<vmem>>) dst(%dma_wait3A_53 : memref<400x64xf32, #tpu.memory_space<hbm>>)
    return
  }
}

</mosaic_0001>

<sc_bundles>
// kernel: kernel.3.cloned.1.call-start
scs
__scs_entry_jumppad:
0x0: {  	(pc) =	sbr.rel $0x88, $3  }
0x1: {  	(tag) =	ssettag $0x0;
	lr =	simm.s32 $0x1  }
0x2: {  	[smem:$0x3F9E] =	sst lr;
	_ =	strace $0xD0000000  }
0x3: {  	_ = 	snop  }
0x4: {  	_ = 	snop  }
0x5: {  	_ = 	snop  }
0x6: {  	_ = 	snop  }
0x7: {  	_ = 	snop  }
__scs_overlays_trampoline_lowered:
0x8: {  	[smem:$0x3FAD] =	sst s0  }
0x9: {  	[smem:$0x3FAE] =	sst s1  }
0xa: {  	[smem:$0x3FAF] =	sst s2  }
0xb: {  	[smem:$0x3FB0] =	sst s3  }
0xc: {  	[smem:$0x3FB1] =	sst s4  }
0xd: {  	[smem:$0x3FB2] =	sst s5  }
0xe: {  	[smem:$0x3FB3] =	sst s6  }
0xf: {  	[smem:$0x3FB4] =	sst s7  }
0x10: {  	[smem:$0x3FB5] =	sst s8  }
0x11: {  	[smem:$0x3FB6] =	sst s9;
	s0 =	simm.s32 @!p0 $0x0  }
0x12: {  	s1 =	sld [smem:$0x3F9C];
	s0 =	simm.s32 @p0 $0x1  }
0x13: {  	[smem:$0x3FB7] =	sst s0;
	s0 =	simm.s32 @!p1 $0x0  }
0x14: {  	s2 =	sld [smem:$0x3F9B];
	s0 =	simm.s32 @p1 $0x1  }
0x15: {  	[smem:$0x3FB8] =	sst s0;
	s0 =	simm.s32 @!p2 $0x0  }
0x16: {  	s3 =	sld [smem:$0x3FDB];
	s0 =	simm.s32 @p2 $0x1  }
0x17: {  	s4 =	simm.s32 $0x1BF5;
	[smem:$0x3FBA] =	sst s0  }
0x18: {  	s0 =	sld [smem:$0x3F9D];
	_ =	swait.ge [sflag:s4], $0x0  }
0x19: {  	s7 =	sld [smem:$0x3F9E]  }
0x1a: {  	s8 =	sadd.s32 $0xFFFFE003, lr  }
0x1b: {  	s9 =	sadd.s32 $0xFFFFFEF7, lr;
	s5 =	simm.s32 $0xFFFFFFFF;
	p2 =	slt.u32 s8, $0xFFFFF086  }
0x1c: {  	p1 =	slt.u32 s9, $0xF7A;
	s5 =	simm.s32 @!p2 $0x0  }
0x1d: {  	s5 =	simm.s32 @p1 $0x1;
	p0 =	seq.s32 s7, s2  }
0x1e: {  	s7 =	smul.u32 @!p0 $0xF7A, s2;
	p2 =	seq.s32 @!p0 s5, $0x0  }
0x1f: {  	s9 =	smul.u32 $0xF7A, s1;
	s8 =	simm.s32 @!p0 $0x1BF5;
	p2 =	por !p2, p0  }
0x20: {  	[sflag:s8] =	ssyncset.s32 @!p0 $0xFFFFF086;
	s6 =	sadd.s32 @!p0 s3, s7;
	s7 =	simm.s32 @!p0 $0x108  }
0x21: {  	s3 =	sadd.s32 s3, s9;
	s6 =	sadd.s32 @!p0 $0x88, s6;
	s7 =	simm.s32 @p2 $0x1082  }
0x22: {  	[simem:s7], [sflag:s8] =	dma.local @!p0 [hbm:s6], $0xF7A  }
0x23: {  	s9 =	sor.u32 $0xD0000000, s2;
	s6 =	simm.s32 $0x108;
	_ =	swait.ge @!p0 [sflag:s8], $0x0  }
0x24: {  	s3 =	sadd.s32 $0x88, s3;
	s6 =	simm.s32 @!p1 $0x1082;
	[sflag:s4] =	ssyncset.s32 $0xFFFFF086  }
0x25: {  	[simem:s6], [sflag:s4] =	dma.local [hbm:s3], $0xF7A  }
0x26: {  	[smem:$0x3F9E] =	sst s1;
	(tag) =	ssettag s2;
	_ =	strace s9  }
0x27: {  	s1 =	sld [smem:$0x3FAE]  }
0x28: {  	s2 =	sld [smem:$0x3FAF]  }
0x29: {  	s4 =	sld [smem:$0x3FB1]  }
0x2a: {  	p0 =	seq.s32 s5, $0x0;
	s5 =	sld [smem:$0x3FB2]  }
0x2b: {  	s6 =	sld [smem:$0x3FB3]  }
0x2c: {  	s7 =	sld [smem:$0x3FB4]  }
0x2d: {  	s3 =	simm.s32 $0x108;
	s8 =	sld [smem:$0x3FB5]  }
0x2e: {  	s3 =	simm.s32 @!p0 $0x1082;
	s9 =	sld [smem:$0x3FB6]  }
0x2f: {  	lr =	sadd.s32 s0, s3;
	s0 =	sld [smem:$0x3FAD]  }
0x30: {  	s3 =	sld [smem:$0x3FB0]  }
0x31: {  	[smem:$0x3FB9] =	sst s10  }
0x32: {  	s10 =	sld [smem:$0x3FB7];
	_ =	sdelay $0x3  }
0x33: {  	p0 =	seq.s32 s10, $0x1;
	s10 =	sld [smem:$0x3FB9];
	_ =	sdelay $0x3  }
0x34: {  	[smem:$0x3FB9] =	sst s10  }
0x35: {  	s10 =	sld [smem:$0x3FB8];
	_ =	sdelay $0x3  }
0x36: {  	p1 =	seq.s32 s10, $0x1;
	s10 =	sld [smem:$0x3FB9];
	_ =	sdelay $0x3  }
0x37: {  	[smem:$0x3FB9] =	sst s10  }
0x38: {  	s10 =	sld [smem:$0x3FBA]  }
0x39: {  	_ = 	snop;
	(pc) =	sbr.ind lr, $3  }
0x3a: {  	_ = 	snop  }
0x3b: {  	_ = 	snop  }
0x3c: {  	p2 =	seq.s32 s10, $0x1;
	s10 =	sld [smem:$0x3FB9]  }
0x3d: {  	_ =	shalt  }
0x3e: {  	_ =	shalt  }
0x3f: {  	_ =	shalt  }
0x40: {  	_ =	shalt  }
0x41: {  	_ =	shalt  }
0x42: {  	_ =	shalt  }
0x43: {  	_ =	shalt  }
0x44: {  	_ =	shalt  }
0x45: {  	_ =	shalt  }
0x46: {  	_ =	shalt  }
0x47: {  	_ =	shalt  }
0x48: {  	_ =	shalt  }
0x49: {  	_ =	shalt  }
0x4a: {  	_ =	shalt  }
0x4b: {  	_ =	shalt  }
0x4c: {  	_ =	shalt  }
0x4d: {  	_ =	shalt  }
0x4e: {  	_ =	shalt  }
0x4f: {  	_ =	shalt  }
0x50: {  	_ =	shalt  }
0x51: {  	_ =	shalt  }
0x52: {  	_ =	shalt  }
0x53: {  	_ =	shalt  }
0x54: {  	_ =	shalt  }
0x55: {  	_ =	shalt  }
0x56: {  	_ =	shalt  }
0x57: {  	_ =	shalt  }
0x58: {  	_ =	shalt  }
0x59: {  	_ =	shalt  }
0x5a: {  	_ =	shalt  }
0x5b: {  	_ =	shalt  }
0x5c: {  	_ =	shalt  }
0x5d: {  	_ =	shalt  }
0x5e: {  	_ =	shalt  }
0x5f: {  	_ =	shalt  }
0x60: {  	_ =	shalt  }
0x61: {  	_ =	shalt  }
0x62: {  	_ =	shalt  }
0x63: {  	_ =	shalt  }
0x64: {  	_ =	shalt  }
0x65: {  	_ =	shalt  }
0x66: {  	_ =	shalt  }
0x67: {  	_ =	shalt  }
0x68: {  	_ =	shalt  }
0x69: {  	_ =	shalt  }
0x6a: {  	_ =	shalt  }
0x6b: {  	_ =	shalt  }
0x6c: {  	_ =	shalt  }
0x6d: {  	_ =	shalt  }
0x6e: {  	_ =	shalt  }
0x6f: {  	_ =	shalt  }
0x70: {  	_ =	shalt  }
0x71: {  	_ =	shalt  }
0x72: {  	_ =	shalt  }
0x73: {  	_ =	shalt  }
0x74: {  	_ =	shalt  }
0x75: {  	_ =	shalt  }
0x76: {  	_ =	shalt  }
0x77: {  	_ =	shalt  }
0x78: {  	_ =	shalt  }
0x79: {  	_ =	shalt  }
0x7a: {  	_ =	shalt  }
0x7b: {  	_ =	shalt  }
0x7c: {  	_ =	shalt  }
0x7d: {  	_ =	shalt  }
0x7e: {  	_ =	shalt  }
0x7f: {  	_ =	shalt  }
0x80: {  	_ =	shalt  }
0x81: {  	_ =	shalt  }
0x82: {  	_ =	shalt  }
0x83: {  	_ =	shalt  }
0x84: {  	_ =	shalt  }
0x85: {  	_ =	shalt  }
0x86: {  	_ =	shalt  }
0x87: {  	_ =	shalt  }
.Lfunc_end0:
.L_simem_size_0:
called_computation.1_lowered:
.L_overlay_start_0:
0x88: {  	s2 =	sld [smem:$0x3FD9]  }
0x89: {  	s3 =	sld [smem:$0x3FFE];
	_ =	sdelay $0x1  }
0x8a: {  	s1 =	srdreg.scid  }
0x8b: {  	s0 =	sand.u32 $0x1, s1  }
0x8c: {  	s17 =	sshll.u32 s0, $0xA;
	s2 =	sadd.s32 s3, s2  }
0x8d: {  	s2 =	sadd.s32 s2, s17  }
0x8e: {  	[smem:$0x3FC5] =	sst s2  }
0x8f: {  	_ = 	snop  }
0x90: {  	s2 =	sld [smem:$0x3FD0];
	(tm) =	ssettm $0x1  }
0x91: {  	s18 =	sld [smem:$0x3FFB];
	_ =	sdelay $0x3  }
0x92: {  	_ =	strace s18  }
0x93: {  	s3 =	sld [smem:$0x3FFC];
	_ =	sdelay $0x3  }
0x94: {  	_ =	strace s3  }
0x95: {  	s3 =	sld [smem:$0x3FFD];
	_ =	sdelay $0x3  }
0x96: {  	_ =	strace s3  }
0x97: {  	_ =	strace $0x8FFFFFFF  }
0x98: {  	s19 =	sld [smem:$0x3FDB];
	_ =	sdelay $0x1  }
0x99: {  	s4 =	simm.s32 $_scs_section_size  }
0x9a: {  	s5 =	simm.s32 $_size__tile_overlayer_lowered;
	s6 =	simm.s32 $_tile_overlayer_lowered  }
0x9b: {  	s22 =	simm.s32 $0x1BFF;
	s21 =	sshll.u32 s6, $0x1;
	s3 =	sadd.s32 s4, s19  }
0x9c: {  	s7 =	simm.s32 $0x0;
	s20 =	sshll.u32 s5, $0x1;
	s5 =	sadd.s32 s21, s3  }
0x9d: {  	[timem:s7], [sflag:s22] =	dma.local [hbm:s5], s20  }
0x9e: {  	_ =	swait.ge [sflag:s22], s20  }
0x9f: {  	s4 =	ssub.s32 $0x0, s20;
	[sflag:s22] =	ssyncset.done $0x0  }
0xa0: {  	[sflag:s22] =	ssyncadd.s32 s4;
	_ =	sdelay $0x1  }
0xa1: {  	s23 =	simm.s32 $0x1B8B  }
0xa2: {  	_ =	swait.ge [sflag:s23], $0x1  }
0xa3: {  	[sflag:s23] =	ssyncset.done $0x0  }
0xa4: {  	s25 =	simm.s32 $0x1B8E;
	s24 =	sld [smem:$0x3FFE];
	[sflag:s23] =	ssyncadd.s32 $0xFFFFFFFF  }
0xa5: {  	s26 =	simm.s32 $execute0_lowered;
	[smem:$0x3FD2] =	sst s25  }
0xa6: {  	s5 =	sshll.u32 s26, $0x1;
	_ =	strace $0x80000046;
	[dreg:$0x1] =	wrdreg $0xFFFFFFFF  }
0xa7: {  	s28 =	simm.s32 $_size_execute0_lowered;
	s3 =	sadd.s32 s3, s5;
	[dreg:$0x0] =	wrdreg $0x0  }
0xa8: {  	s5 =	sshll.u32 s28, $0x1;
	[dreg:$0x2] =	wrdreg s3  }
0xa9: {  	[dreg:$0x3] =	wrdreg s5  }
0xaa: {  	[dreg:$0x4] =	wrdreg $0xC0  }
0xab: {  	_ =	task [dreg:s7], $0x5FFFF  }
0xac: {  	[dreg:$0x1] =	wrdreg $0xFFFFFFFF  }
0xad: {  	[dreg:$0x0] =	wrdreg $0x60  }
0xae: {  	[dreg:$0x2] =	wrdreg s2  }
0xaf: {  	[dreg:$0x3] =	wrdreg s24  }
0xb0: {  	[dreg:$0x4] =	wrdreg $0x9  }
0xb1: {  	_ =	task.clear_ibuf [dreg:s7], $0x5FFFF;
	_ =	strace $0x90000046  }
0xb2: {  	s29 =	simm.s32 $0x9;
	_ =	strace $0x80000048  }
0xb3: {  	_ =	swait.ge [sflag:s29], $0x1  }
0xb4: {  	[sflag:s29] =	ssyncadd.s32 $0xFFFFFFFF  }
0xb5: {  	_ =	strace $0x90000048  }
0xb6: {  	_ =	sfence  }
0xb7: {  	s30 =	sld [smem:$0x0];
	_ =	sdelay $0x2  }
0xb8: {  	s31 =	sshll.u32 s1, $0xD;
	s1 =	sshrl.u32 s1, $0x2  }
0xb9: {  	s3 =	sand.u32 $0x4000, s31;
	s1 =	sadd.s32 s1, s30  }
0xba: {  	s0 =	sor.u32 s3, s0;
	s1 =	sshll.u32 s1, $0x11  }
0xbb: {  	s0 =	sor.u32 s1, s0  }
0xbc: {  	s0 =	sadd.s32 $0x8F2B, s0  }
0xbd: {  	[sflag:s0] =	ssyncadd.remote.s32 $0x1  }
0xbe: {  	_ =	sfence.sel $0xFFFF  }
0xbf: {  	[dreg:$0x0] =	wrdreg $0xFFFFFFFF;
	(pc) =	sbr.abs _section_cstart, $3  }
0xc0: {  	[dreg:$0x1] =	wrdreg $0xFFFFFFFF  }
0xc1: {  	_ =	task.clear_ibuf [dreg:s7], $0x2FFFF;
	_ =	strace $0x9FFFFFFF  }
0xc2: {  	(tm) =	ssettm $0x7FFFFFFF  }
0xc3: {  	_ =	shalt  }
tec
execute0_lowered:
.L_overlay_start_1:
0x0: {  	(tag) =	ssettag $0x1  }
0x1: {  	s0 =	rddreg [dreg:$0x0];
	s1 =	srdreg.scid  }
0x2: {  	s2 =	stileid.u32;
	s6 =	rddreg [dreg:$0x1];
	s9 =	simm.s32 $0x5  }
0x3: {  	s11 =	simm.s32 $0x50;
	s12 =	simm.s32 $0x6400;
	s17 =	simm.s32 $0xA000  }
0x4: {  	s18 =	simm.s32 $0x140;
	s19 =	simm.s32 $0xB400;
	s20 =	simm.s32 $0xC800  }
0x5: {  	s21 =	simm.s32 $0xDC00;
	s22 =	simm.s32 $0xF000;
	s23 =	simm.s32 $0x10400  }
0x6: {  	s24 =	simm.s32 $0x11800;
	s25 =	simm.s32 $0x1;
	s26 =	simm.s32 $0x40  }
0x7: {  	s28 =	simm.s32 $0x80;
	s29 =	simm.s32 $0x2;
	s30 =	simm.s32 $0x3  }
0x8: {  	s31 =	simm.s32 $0x4;
	s1 =	sand.u32 $0x1, s1;
	s3 =	sshll.u32 s2, $0x1  }
0x9: {  	s2 =	simm.s32 $0x0;
	s4 =	sadd.s32 $0xF43000, s6;
	s3 =	sor.u32 s1, s3  }
0xa: {  	s5 =	sadd.s32 $0xC00, s6;
	s1 =	ssub.s32 $0x2, s1;
	s3 =	smul.u32 $0x6400, s3  }
0xb: {  	s6 =	sadd.s32 $0x1400, s6;
	[smem:$0x7FF] =	sst s2;
	s7 =	sshrl.u32 s1, $0x1  }
0xc: {  	_ =	strace $0x80000047;
	s1 =	ssub.s32 s1, s7;
	s8 =	sshrl.u32 s3, $0x3  }
0xd: {  	s7 =	sadd.s32 s0, s8;
	s8 =	smax.u32 s1, $0x1;
	s1 =	simm.s32 $0x0  }
.LBB2_1:
0xe: {  	[tilespmem:s2], [sflag:$0x5] =	stream.linear.gather [hbm4b:s7+s2], $0x6400, $0x38;
	[tilespmem:$0x15E00] =	vst v63  }
0xf: {  	_ =	swait.ge [sflag:s9], $0x6400  }
0x10: {  	[sflag:s9] =	ssyncset.done $0x0  }
0x11: {  	s0 =	simm.s32 $0x12C00;
	[sflag:s9] =	ssyncadd.s32 $0xFFFF9C00  }
0x12: {  	[tilespmem:s0], [sflag:$0x5] =	stream.linear.gather [hbm4b:s5+s2], $0x3200, $0x38;
	[tilespmem:$0x15E00] =	vst v63  }
0x13: {  	_ =	swait.ge [sflag:s9], $0x3200  }
0x14: {  	[sflag:s9] =	ssyncset.done $0x0  }
0x15: {  	[sflag:s9] =	ssyncadd.s32 $0xFFFFCE00  }
0x16: {  	[tilespmem:s12], [sflag:$0x1] =	stream.indirect.gather [hbm4b:s4+s11], $0x40, s2, s11, $0xb8;
	[tilespmem:$0x15E00] =	vst v63  }
0x17: {  	s14 =	simm.s32 $0x7800  }
0x18: {  	[tilespmem:s14], [sflag:$0x1] =	stream.indirect.gather [hbm4b:s4+s11], $0x40, s11, s11, $0xb8;
	[tilespmem:$0x15E00] =	vst v63  }
0x19: {  	s15 =	simm.s32 $0xA0;
	s10 =	simm.s32 $0x8C00  }
0x1a: {  	[tilespmem:s10], [sflag:$0x1] =	stream.indirect.gather [hbm4b:s4+s11], $0x40, s15, s11, $0xb8;
	[tilespmem:$0x15E00] =	vst v63  }
0x1b: {  	s16 =	simm.s32 $0xF0  }
0x1c: {  	[tilespmem:s17], [sflag:$0x1] =	stream.indirect.gather [hbm4b:s4+s11], $0x40, s16, s11, $0xb8;
	[tilespmem:$0x15E00] =	vst v63  }
0x1d: {  	s10 =	simm.s32 $0x0  }
0x1e: {  	[tilespmem:s19], [sflag:$0x1] =	stream.indirect.gather [hbm4b:s4+s11], $0x40, s18, s11, $0xb8;
	[tilespmem:$0x15E00] =	vst v63  }
.LBB2_2:
0x1f: {  	p0 =	seq.s32 s10, $0x0  }
0x20: {  	s0 =	simm.s32 @!p0 $0x4  }
0x21: {  	s13 =	smul.u32 $0x320, s10;
	_ =	swait.ge @!p0 [sflag:s0], $0x6400  }
0x22: {  	[sflag:s0] =	ssyncset.done @!p0 $0x0  }
0x23: {  	[sflag:s0] =	ssyncadd.s32 @!p0 $0xFFFF9C00;
	s0 =	sadd.s32 $0x190, s13  }
0x24: {  	[tilespmem:s20], [sflag:$0x2] =	stream.indirect.gather [hbm4b:s4+s11], $0x40, s0, s11, $0xb8;
	[tilespmem:$0x15E00] =	vst v63  }
0x25: {  	s14 =	sadd.s32 $0x1E0, s13  }
0x26: {  	[tilespmem:s21], [sflag:$0x2] =	stream.indirect.gather [hbm4b:s4+s11], $0x40, s14, s11, $0xb8;
	[tilespmem:$0x15E00] =	vst v63  }
0x27: {  	s16 =	sadd.s32 $0x230, s13  }
0x28: {  	[tilespmem:s22], [sflag:$0x2] =	stream.indirect.gather [hbm4b:s4+s11], $0x40, s16, s11, $0xb8;
	[tilespmem:$0x15E00] =	vst v63  }
0x29: {  	s15 =	sadd.s32 $0x280, s13  }
0x2a: {  	[tilespmem:s23], [sflag:$0x2] =	stream.indirect.gather [hbm4b:s4+s11], $0x40, s15, s11, $0xb8;
	[tilespmem:$0x15E00] =	vst v63  }
0x2b: {  	s16 =	sadd.s32 $0x2D0, s13  }
0x2c: {  	[tilespmem:s24], [sflag:$0x2] =	stream.indirect.gather [hbm4b:s4+s11], $0x40, s16, s11, $0xb8;
	[tilespmem:$0x15E00] =	vst v63  }
0x2d: {  	_ =	swait.ge [sflag:s25], $0x1400  }
0x2e: {  	[sflag:s25] =	ssyncset.done $0x0  }
0x2f: {  	[sflag:s25] =	ssyncadd.s32 $0xFFFFEC00  }
0x30: {  	_ =	swait.ge [sflag:s25], $0x1400  }
0x31: {  	[sflag:s25] =	ssyncset.done $0x0  }
0x32: {  	[sflag:s25] =	ssyncadd.s32 $0xFFFFEC00  }
0x33: {  	_ =	swait.ge [sflag:s25], $0x1400  }
0x34: {  	[sflag:s25] =	ssyncset.done $0x0  }
0x35: {  	[sflag:s25] =	ssyncadd.s32 $0xFFFFEC00  }
0x36: {  	_ =	swait.ge [sflag:s25], $0x1400  }
0x37: {  	[sflag:s25] =	ssyncset.done $0x0  }
0x38: {  	[sflag:s25] =	ssyncadd.s32 $0xFFFFEC00  }
0x39: {  	_ =	swait.ge [sflag:s25], $0x1400  }
0x3a: {  	[sflag:s25] =	ssyncset.done $0x0  }
0x3b: {  	s14 =	simm.s32 $0x0;
	[sflag:s25] =	ssyncadd.s32 $0xFFFFEC00  }
0x3c: {  	v4 =	vld [tilespmem:s14+$0x12C00]  }
0x3d: {  	v2 =	vld [tilespmem:s14+$0x12C10]  }
0x3e: {  	v1 =	vld [tilespmem:s14+$0x12C20]  }
0x3f: {  	v3 =	vld [tilespmem:s14+$0x12C30]  }
0x40: {  	v0 =	vld [tilespmem:s14+$0x12C30]  }
0x41: {  	v6 =	vld [tilespmem:s14+$0x6400]  }
0x42: {  	v10 =	vld [tilespmem:s14+$0x6410]  }
0x43: {  	v9 =	vld [tilespmem:s14+$0x6420]  }
0x44: {  	v8 =	vld [tilespmem:s14+$0x6430]  }
0x45: {  	v7 =	vld [tilespmem:s14+$0x9600]  }
0x46: {  	v5 =	vld [tilespmem:s14+$0x9610];
	v11 =	vadd.f32 v4, v6  }
0x47: {  	s15 =	simm.s32 $0x100;
	v10 =	vadd.f32 v2, v10;
	v6 =	vld [tilespmem:s14+$0x9620]  }
.LBB2_3:
0x48: {  	s16 =	sshra.s32 s15, $0x2;
	p0 =	sne.s32 s15, $0xC700;
	[tilespmem:s14+$0x6400] =	vst v11;
	v9 =	vadd.f32 v1, v9;
	v11 =	vld [tilespmem:s14+$0x9630]  }
0x49: {  	v12 =	vld [tilespmem:s16+$0x12C00];
	[tilespmem:s14+$0x6410] =	vst v10;
	v3 =	vadd.f32 v3, v8  }
0x4a: {  	v8 =	vld [tilespmem:s16+$0x12C10];
	[tilespmem:s14+$0x6420] =	vst v9;
	v4 =	vadd.f32 v4, v7  }
0x4b: {  	v7 =	vld [tilespmem:s16+$0x12C20];
	[tilespmem:s14+$0x6430] =	vst v3;
	v2 =	vadd.f32 v2, v5  }
0x4c: {  	v3 =	vld [tilespmem:s16+$0x12C30];
	[tilespmem:s14+$0x9600] =	vst v4;
	v1 =	vadd.f32 v1, v6  }
0x4d: {  	[tilespmem:s14+$0x9610] =	vst v2;
	v9 =	vadd.f32 v0, v11;
	v0 =	vld [tilespmem:s16+$0x12C30]  }
0x4e: {  	v5 =	vld [tilespmem:s16+$0x6400];
	[tilespmem:s14+$0x9620] =	vst v1;
	v4 =	vmov v12  }
0x4f: {  	v6 =	vld [tilespmem:s16+$0x6410];
	[tilespmem:s14+$0x9630] =	vst v9;
	v2 =	vmov v8;
	s14 =	smov.u32 s16  }
.Ltmp0:
0x50: {  	v9 =	vld [tilespmem:s14+$0x6420];
	v1 =	vmov v7;
	(pc) =	sbr.rel @p0 .LBB2_3-.Ltmp0, $4  }
0x51: {  	v8 =	vld [tilespmem:s14+$0x6430]  }
0x52: {  	v7 =	vld [tilespmem:s14+$0x9600]  }
0x53: {  	v11 =	vadd.f32 v4, v5;
	v5 =	vld [tilespmem:s14+$0x9610]  }
0x54: {  	s15 =	sadd.s32 $0x100, s15;
	v10 =	vadd.f32 v2, v6;
	v6 =	vld [tilespmem:s14+$0x9620]  }
0x55: {  	[tilespmem:s14+$0x6400] =	vst v11;
	v9 =	vadd.f32 v1, v9;
	v11 =	vld [tilespmem:s14+$0x9630]  }
0x56: {  	[tilespmem:s14+$0x6410] =	vst v10;
	v3 =	vadd.f32 v3, v8  }
0x57: {  	[tilespmem:s14+$0x6420] =	vst v9;
	v4 =	vadd.f32 v4, v7  }
0x58: {  	[tilespmem:s14+$0x6430] =	vst v3;
	v2 =	vadd.f32 v2, v5  }
0x59: {  	[tilespmem:s14+$0x9600] =	vst v4;
	v1 =	vadd.f32 v1, v6  }
0x5a: {  	s15 =	sadd.s32 s3, s13;
	[tilespmem:s14+$0x9610] =	vst v2;
	v0 =	vadd.f32 v0, v11  }
0x5b: {  	p0 =	seq.s32 s10, $0x1F;
	s15 =	sshll.u32 s15, $0x4;
	[tilespmem:s14+$0x9620] =	vst v1  }
0x5c: {  	s16 =	sadd.s32 s6, s15;
	[tilespmem:s14+$0x9630] =	vst v0;
	s14 =	simm.s32 @!p0 $0x3  }
0x5d: {  	[hbm4b:s16+s26] =	stream.strided.scatter [tilespmem:s12], [sflag:$0x3], $0x6400, s28, s26, $0x38;
	[tilespmem:$0x15E00] =	vst v63  }
0x5e: {  	_ =	swait.ge @!p0 [sflag:s14], $0x6400  }
0x5f: {  	s15 =	simm.s32 @!p0 $0x50;
	[sflag:s14] =	ssyncset.done @!p0 $0x0  }
0x60: {  	s16 =	simm.s32 @!p0 $0x6400;
	[sflag:s14] =	ssyncadd.s32 @!p0 $0xFFFF9C00;
	s14 =	sadd.s32 @!p0 $0x320, s13  }
0x61: {  	[tilespmem:s16], [sflag:$0x1] =	stream.indirect.gather @!p0 [hbm4b:s4+s15], $0x40, s14, s15, $0xb8;
	[tilespmem:$0x15E00] =	vst v63  }
0x62: {  	s14 =	sadd.s32 @!p0 $0x370, s13;
	s16 =	simm.s32 @!p0 $0x7800  }
0x63: {  	[tilespmem:s16], [sflag:$0x1] =	stream.indirect.gather @!p0 [hbm4b:s4+s15], $0x40, s14, s15, $0xb8;
	[tilespmem:$0x15E00] =	vst v63  }
0x64: {  	s14 =	sadd.s32 @!p0 $0x3C0, s13;
	s16 =	simm.s32 @!p0 $0x8C00  }
0x65: {  	[tilespmem:s16], [sflag:$0x1] =	stream.indirect.gather @!p0 [hbm4b:s4+s15], $0x40, s14, s15, $0xb8;
	[tilespmem:$0x15E00] =	vst v63  }
0x66: {  	s14 =	sadd.s32 @!p0 $0x410, s13;
	s16 =	simm.s32 @!p0 $0xA000  }
0x67: {  	[tilespmem:s16], [sflag:$0x1] =	stream.indirect.gather @!p0 [hbm4b:s4+s15], $0x40, s14, s15, $0xb8;
	[tilespmem:$0x15E00] =	vst v63  }
0x68: {  	s13 =	sadd.s32 @!p0 $0x460, s13;
	s14 =	simm.s32 @!p0 $0xB400  }
0x69: {  	[tilespmem:s14], [sflag:$0x1] =	stream.indirect.gather @!p0 [hbm4b:s4+s15], $0x40, s13, s15, $0xb8;
	[tilespmem:$0x15E00] =	vst v63  }
0x6a: {  	_ =	swait.ge [sflag:s29], $0x1400  }
0x6b: {  	[sflag:s29] =	ssyncset.done $0x0  }
0x6c: {  	[sflag:s29] =	ssyncadd.s32 $0xFFFFEC00  }
0x6d: {  	_ =	swait.ge [sflag:s29], $0x1400  }
0x6e: {  	[sflag:s29] =	ssyncset.done $0x0  }
0x6f: {  	[sflag:s29] =	ssyncadd.s32 $0xFFFFEC00  }
0x70: {  	_ =	swait.ge [sflag:s29], $0x1400  }
0x71: {  	[sflag:s29] =	ssyncset.done $0x0  }
0x72: {  	[sflag:s29] =	ssyncadd.s32 $0xFFFFEC00  }
0x73: {  	_ =	swait.ge [sflag:s29], $0x1400  }
0x74: {  	[sflag:s29] =	ssyncset.done $0x0  }
0x75: {  	[sflag:s29] =	ssyncadd.s32 $0xFFFFEC00  }
0x76: {  	_ =	swait.ge [sflag:s29], $0x1400  }
0x77: {  	[sflag:s29] =	ssyncset.done $0x0  }
0x78: {  	s13 =	simm.s32 $0x0;
	[sflag:s29] =	ssyncadd.s32 $0xFFFFEC00  }
0x79: {  	v4 =	vld [tilespmem:s13+$0x12C00]  }
0x7a: {  	v2 =	vld [tilespmem:s13+$0x12C10]  }
0x7b: {  	v1 =	vld [tilespmem:s13+$0x12C20]  }
0x7c: {  	v3 =	vld [tilespmem:s13+$0x12C30]  }
0x7d: {  	v0 =	vld [tilespmem:s13+$0x12C30]  }
0x7e: {  	v6 =	vld [tilespmem:s13+$0xC800]  }
0x7f: {  	v10 =	vld [tilespmem:s13+$0xC810]  }
0x80: {  	v9 =	vld [tilespmem:s13+$0xC820]  }
0x81: {  	v8 =	vld [tilespmem:s13+$0xC830]  }
0x82: {  	v7 =	vld [tilespmem:s13+$0xFA00]  }
0x83: {  	v5 =	vld [tilespmem:s13+$0xFA10];
	v11 =	vadd.f32 v4, v6  }
0x84: {  	s10 =	sadd.s32 $0x1, s10;
	s14 =	simm.s32 $0x100;
	v10 =	vadd.f32 v2, v10;
	v6 =	vld [tilespmem:s13+$0xFA20]  }
.LBB2_5:
0x85: {  	s15 =	sshra.s32 s14, $0x2;
	p0 =	sne.s32 s14, $0xC700;
	[tilespmem:s13+$0xC800] =	vst v11;
	v9 =	vadd.f32 v1, v9;
	v11 =	vld [tilespmem:s13+$0xFA30]  }
0x86: {  	v12 =	vld [tilespmem:s15+$0x12C00];
	[tilespmem:s13+$0xC810] =	vst v10;
	v3 =	vadd.f32 v3, v8  }
0x87: {  	v8 =	vld [tilespmem:s15+$0x12C10];
	[tilespmem:s13+$0xC820] =	vst v9;
	v4 =	vadd.f32 v4, v7  }
0x88: {  	v7 =	vld [tilespmem:s15+$0x12C20];
	[tilespmem:s13+$0xC830] =	vst v3;
	v2 =	vadd.f32 v2, v5  }
0x89: {  	v3 =	vld [tilespmem:s15+$0x12C30];
	[tilespmem:s13+$0xFA00] =	vst v4;
	v1 =	vadd.f32 v1, v6  }
0x8a: {  	[tilespmem:s13+$0xFA10] =	vst v2;
	v9 =	vadd.f32 v0, v11;
	v0 =	vld [tilespmem:s15+$0x12C30]  }
0x8b: {  	v5 =	vld [tilespmem:s15+$0xC800];
	[tilespmem:s13+$0xFA20] =	vst v1;
	v4 =	vmov v12  }
0x8c: {  	v6 =	vld [tilespmem:s15+$0xC810];
	[tilespmem:s13+$0xFA30] =	vst v9;
	v2 =	vmov v8;
	s13 =	smov.u32 s15  }
.Ltmp1:
0x8d: {  	v9 =	vld [tilespmem:s13+$0xC820];
	v1 =	vmov v7;
	(pc) =	sbr.rel @p0 .LBB2_5-.Ltmp1, $4  }
0x8e: {  	v8 =	vld [tilespmem:s13+$0xC830]  }
0x8f: {  	v7 =	vld [tilespmem:s13+$0xFA00]  }
0x90: {  	v11 =	vadd.f32 v4, v5;
	v5 =	vld [tilespmem:s13+$0xFA10]  }
0x91: {  	s14 =	sadd.s32 $0x100, s14;
	v10 =	vadd.f32 v2, v6;
	v6 =	vld [tilespmem:s13+$0xFA20]  }
0x92: {  	[tilespmem:s13+$0xC800] =	vst v11;
	v9 =	vadd.f32 v1, v9;
	v62 =	vld [tilespmem:s13+$0xFA30]  }
0x93: {  	[tilespmem:s13+$0xC810] =	vst v10;
	v3 =	vadd.f32 v3, v8  }
0x94: {  	[tilespmem:s13+$0xC820] =	vst v9;
	v4 =	vadd.f32 v4, v7  }
0x95: {  	p0 =	sne.s32 s10, $0x20;
	[tilespmem:s13+$0xC830] =	vst v3;
	v2 =	vadd.f32 v2, v5  }
.Ltmp2:
0x96: {  	s0 =	sadd.s32 s3, s0;
	[tilespmem:s13+$0xFA00] =	vst v4;
	v63 =	vadd.f32 v1, v6;
	(pc) =	sbr.rel @p0 .LBB2_2-.Ltmp2, $4  }
0x97: {  	s0 =	sshll.u32 s0, $0x4;
	[tilespmem:s13+$0xFA10] =	vst v2;
	v0 =	vadd.f32 v0, v62  }
0x98: {  	s0 =	sand.u32 $0x1FFFFF00, s0;
	[tilespmem:s13+$0xFA20] =	vst v63  }
0x99: {  	s0 =	sadd.s32 s6, s0;
	[tilespmem:s13+$0xFA30] =	vst v0  }
0x9a: {  	[hbm4b:s0+s26] =	stream.strided.scatter [tilespmem:s20], [sflag:$0x4], $0x6400, s28, s26, $0x38;
	[tilespmem:$0x15E00] =	vst v63  }
0x9b: {  	s1 =	sadd.s32 $0x1, s1  }
0x9c: {  	_ =	swait.ge [sflag:s30], $0x6400;
	p0 =	sne.s32 s1, s8  }
.Ltmp3:
0x9d: {  	[sflag:s30] =	ssyncset.done $0x0;
	(pc) =	sbr.rel @p0 .LBB2_1-.Ltmp3, $4  }
0x9e: {  	[sflag:s30] =	ssyncadd.s32 $0xFFFF9C00  }
0x9f: {  	_ =	swait.ge [sflag:s31], $0x6400  }
0xa0: {  	[sflag:s31] =	ssyncset.done $0x0  }
0xa1: {  	[sflag:s31] =	ssyncadd.s32 $0xFFFF9C00  }
0xa2: {  	_ =	sfence.sel $0x180000  }
0xa3: {  	[bflag:$0x0] =	sbarrier.arrive $0xFFFF  }
0xa4: {  	_ =	strace $0x90000047  }
0xa5: {  	s0 =	stileid.u32;
	[bflag:$0x2] =	sbarrier.arrive $0xFFFF  }
0xa6: {  	p0 =	sne.s32 s0, $0x0;
	s0 =	rddreg [dreg:$0x2]  }
0xa7: {  	s0 =	sadd.s32 @!p0 $0x100000, s0  }
0xa8: {  	[sflag:s0] =	ssyncadd.tile.s32 @!p0 $0x1;
	_ =	shalt  }
.Lfunc_end2:
_tile_overlayer_lowered:
.L_overlay_start_2:
0xa9: {  	(tag) =	ssettag $0x2  }
0xaa: {  	s0 =	rddreg [dreg:$0x0];
	s2 =	stileid.u32  }
0xab: {  	s1 =	rddreg [dreg:$0x1];
	p0 =	sne.s32 s2, $0x0  }
0xac: {  	s3 =	rddreg [dreg:$0x2];
	[bflag:$0x3] =	sbarrier.arrive $0xFFFF;
	s2 =	simm.s32 @!p0 $0x1C05  }
0xad: {  	[timem:s3], [sflag:s2] =	dma.local @!p0 [hbm:s0], s1  }
0xae: {  	s0 =	simm.s32 @!p0 $0x5  }
0xaf: {  	_ =	swait.ge @!p0 [sflag:s0], s1  }
0xb0: {  	s1 =	ssub.s32 @!p0 $0x0, s1;
	[sflag:s0] =	ssyncset.done @!p0 $0x0  }
0xb1: {  	[sflag:s0] =	ssyncadd.s32 @!p0 s1  }
0xb2: {  	[bflag:$0x3] =	sbarrier.arrive $0xFFFF  }
0xb3: {  	_ =	shalt  }

// kernel: sparse-core-data-format-call.cloned.1.call-start
scs
called_computation_lowered:
.L_overlay_start_0:
0x0: {  	s2 =	sld [smem:$0x3FD9]  }
0x1: {  	s3 =	sld [smem:$0x3FFE];
	_ =	sdelay $0x1  }
0x2: {  	s1 =	srdreg.scid  }
0x3: {  	s0 =	sand.u32 $0x1, s1  }
0x4: {  	s18 =	sshll.u32 s0, $0xA;
	s2 =	sadd.s32 s3, s2  }
0x5: {  	s2 =	sadd.s32 s2, s18  }
0x6: {  	[smem:$0x3FC5] =	sst s2  }
0x7: {  	_ = 	snop  }
0x8: {  	s2 =	sld [smem:$0x3FD0];
	(tm) =	ssettm $0x1  }
0x9: {  	s19 =	sld [smem:$0x3FFB];
	_ =	sdelay $0x3  }
0xa: {  	_ =	strace s19  }
0xb: {  	s3 =	sld [smem:$0x3FFC];
	_ =	sdelay $0x3  }
0xc: {  	_ =	strace s3  }
0xd: {  	s3 =	sld [smem:$0x3FFD];
	_ =	sdelay $0x3  }
0xe: {  	_ =	strace s3  }
0xf: {  	_ =	strace $0x8FFFFFFF  }
0x10: {  	s20 =	sld [smem:$0x3FDB];
	_ =	sdelay $0x1  }
0x11: {  	s4 =	simm.s32 $_scs_section_size  }
0x12: {  	s5 =	simm.s32 $_size__tile_overlayer_lowered;
	s6 =	simm.s32 $_tile_overlayer_lowered  }
0x13: {  	s23 =	simm.s32 $0x1BFF;
	s22 =	sshll.u32 s6, $0x1;
	s3 =	sadd.s32 s4, s20  }
0x14: {  	s7 =	simm.s32 $0x0;
	s21 =	sshll.u32 s5, $0x1;
	s5 =	sadd.s32 s22, s3  }
0x15: {  	[timem:s7], [sflag:s23] =	dma.local [hbm:s5], s21  }
0x16: {  	_ =	swait.ge [sflag:s23], s21  }
0x17: {  	s4 =	ssub.s32 $0x0, s21;
	[sflag:s23] =	ssyncset.done $0x0  }
0x18: {  	[sflag:s23] =	ssyncadd.s32 s4;
	_ =	sdelay $0x1  }
0x19: {  	s24 =	simm.s32 $0x1B8B  }
0x1a: {  	_ =	swait.ge [sflag:s24], $0x1  }
0x1b: {  	[sflag:s24] =	ssyncset.done $0x0  }
0x1c: {  	s26 =	simm.s32 $0x1B8E;
	s25 =	sld [smem:$0x3FFE];
	[sflag:s24] =	ssyncadd.s32 $0xFFFFFFFF  }
0x1d: {  	s27 =	simm.s32 $execute0_lowered;
	[smem:$0x3FD2] =	sst s26  }
0x1e: {  	s5 =	sshll.u32 s27, $0x1;
	_ =	strace $0x80000049;
	[dreg:$0x1] =	wrdreg $0xFFFFFFFF  }
0x1f: {  	s28 =	simm.s32 $_size_execute0_lowered;
	s3 =	sadd.s32 s3, s5;
	[dreg:$0x0] =	wrdreg $0x0  }
0x20: {  	s5 =	sshll.u32 s28, $0x1;
	[dreg:$0x2] =	wrdreg s3  }
0x21: {  	[dreg:$0x3] =	wrdreg s5  }
0x22: {  	[dreg:$0x4] =	wrdreg $0xC0  }
0x23: {  	_ =	task [dreg:s7], $0x5FFFF  }
0x24: {  	[dreg:$0x1] =	wrdreg $0xFFFFFFFF  }
0x25: {  	[dreg:$0x0] =	wrdreg $0x60  }
0x26: {  	[dreg:$0x2] =	wrdreg s25  }
0x27: {  	[dreg:$0x3] =	wrdreg s2  }
0x28: {  	[dreg:$0x4] =	wrdreg $0x9  }
0x29: {  	_ =	task.clear_ibuf [dreg:s7], $0x5FFFF;
	_ =	strace $0x90000049  }
0x2a: {  	s29 =	simm.s32 $0x9;
	_ =	strace $0x8000004B  }
0x2b: {  	_ =	swait.ge [sflag:s29], $0x1  }
0x2c: {  	[sflag:s29] =	ssyncadd.s32 $0xFFFFFFFF  }
0x2d: {  	_ =	strace $0x9000004B  }
0x2e: {  	_ =	sfence  }
0x2f: {  	s30 =	sld [smem:$0x0];
	_ =	sdelay $0x2  }
0x30: {  	s31 =	sshll.u32 s1, $0xD;
	s1 =	sshrl.u32 s1, $0x2  }
0x31: {  	s3 =	sand.u32 $0x4000, s31;
	s1 =	sadd.s32 s1, s30  }
0x32: {  	s0 =	sor.u32 s3, s0;
	s1 =	sshll.u32 s1, $0x11  }
0x33: {  	s0 =	sor.u32 s1, s0  }
0x34: {  	s0 =	sadd.s32 $0x8F2B, s0  }
0x35: {  	[sflag:s0] =	ssyncadd.remote.s32 $0x1  }
0x36: {  	_ =	sfence.sel $0xFFFF  }
0x37: {  	[dreg:$0x0] =	wrdreg $0xFFFFFFFF;
	(pc) =	sbr.abs _section_cstart, $3  }
0x38: {  	[dreg:$0x1] =	wrdreg $0xFFFFFFFF  }
0x39: {  	_ =	task.clear_ibuf [dreg:s7], $0x2FFFF;
	_ =	strace $0x9FFFFFFF  }
0x3a: {  	(tm) =	ssettm $0x7FFFFFFF  }
0x3b: {  	_ =	shalt  }
tec
execute0_lowered:
.L_overlay_start_1:
0x0: {  	(tag) =	ssettag $0x1  }
0x1: {  	s0 =	srdreg.scid  }
0x2: {  	s1 =	sshll.u32 s0, $0x4  }
0x3: {  	s0 =	stileid.u32;
	s1 =	sand.u32 $0x10, s1  }
0x4: {  	s1 =	sor.u32 s0, s1  }
0x5: {  	s6 =	rddreg [dreg:$0x0];
	s4 =	simm.s32 $0x1;
	s2 =	sshll.u32 s1, $0x7  }
0x6: {  	s7 =	simm.s32 $0x2;
	s12 =	simm.s32 $0x0;
	s1 =	ssub.s32 $0x1000, s2  }
0x7: {  	s8 =	simm.s32 $0x8000;
	s13 =	simm.s32 $0x0;
	s3 =	sand.u32 $0xF80, s1  }
0x8: {  	s9 =	simm.s32 $0x0;
	s5 =	sshrl.u32 s1, $0xC;
	p0 =	sne.s32 s3, $0x0  }
.Ltmp0:
0x9: {  	s1 =	rddreg [dreg:$0x2];
	s4 =	simm.s32 @!p0 $0x0;
	(pc) =	sbr.rel .LBB1_1-.Ltmp0, $4  }
0xa: {  	s11 =	simm.s32 $0x0;
	s3 =	rddreg [dreg:$0x1];
	s5 =	sadd.s32 s4, s5  }
0xb: {  	_ =	strace $0x8000004A;
	s4 =	simm.s32 $0x1;
	s5 =	smul.u32 $0xC8, s5  }
0xc: {  	s6 =	sadd.s32 $0x1400, s6;
	s10 =	smov.u32 s2;
	[sflag:s4] =	ssyncpa.u1 $0x0  }
0xd: {  	p0 =	por $0x0, $0x0;
	[sflag:s7] =	ssyncpa.u1 $0x0;
	s7 =	sor.u32 $0x1, s5  }
.LBB1_4:
0xe: {  	s16 =	sshll.u32 s13, $0x3;
	s17 =	sand.u32 $0x78, s13  }
0xf: {  	s30 =	sand.u32 $0x7E00, s13;
	s12 =	sshll.u32 s12, $0xF;
	s16 =	sand.u32 $0xC00, s16  }
0x10: {  	[tilespmem:s15+$0x810 ss:$0x81] =	vst.msk $0xffff, v2;
	s31 =	sand.u32 $0x7, s13;
	s16 =	sor.u32 s17, s16;
	s17 =	sadd.s32 s3, s30  }
0x11: {  	[tilespmem:s15+$0x1020 ss:$0x81] =	vst.msk $0xffff, v0;
	s13 =	sshll.u32 s31, $0x12;
	s12 =	sadd.s32 s12, s17;
	s16 =	sshrl.u32 s16, $0x3  }
0x12: {  	[tilespmem:s15+$0x0 ss:$0x81] =	vst.msk $0xffff, v1;
	s13 =	sor.u32 $0x400, s13;
	s12 =	sadd.s32 s16, s12  }
0x13: {  	[hbm4b:s12+s13] =	stream.strided.scatter [tilespmem:s14], [sflag:$0x2], $0x2000, s8, s13, $0x20;
	[tilespmem:$0x8080] =	vst v63  }
.LBB1_5:
0x14: {  	s14 =	sadd.s32 $0x1, s9  }
0x15: {  	s12 =	sadd.s32 $0x1000, s10;
	s16 =	smov.u32 s10;
	p2 =	sgt.s32 s14, $0xC7  }
0x16: {  	s16 =	smov.u32 @p2 s12  }
0x17: {  	s14 =	simm.s32 @p2 $0x0;
	p2 =	sgt.s32 s16, $0xFFF  }
0x18: {  	s16 =	smov.u32 @p2 s2;
	p2 =	sne.s32 s11, s7  }
.Ltmp1:
0x19: {  	p1 =	slt.u32 s11, $0x2;
	(pc) =	sbr.rel @!p2 .LBB1_6-.Ltmp1, $4  }
0x1a: {  	s15 =	simm.s32 @!p1 $0x2  }
0x1b: {  	s13 =	smov.u32 s10;
	p0 =	por !p0, !p0;
	_ =	swait.ge @!p1 [sflag:s15], $0x2000  }
0x1c: {  	s12 =	smov.u32 s9;
	[sflag:s15] =	ssyncset.done @!p1 $0x0;
	s9 =	smov.u32 s14  }
0x1d: {  	s11 =	sadd.s32 $0x1, s11;
	[sflag:s15] =	ssyncadd.s32 @!p1 $0xFFFFE000;
	s10 =	smov.u32 s16  }
.LBB1_1:
0x1e: {  	p1 =	sge.u32 s11, s5  }
0x1f: {  	s14 =	sand.u32 @!p1 $0x1FFFFFF, s9  }
0x20: {  	s15 =	smulhi.u32 @!p1 $0x147AE15, s14;
	_ =	sdelay $0x1  }
0x21: {  	s15 =	smul.u32 @!p1 $0xC8, s15  }
0x22: {  	s16 =	sxor.u32 @!p1 $0xFFFFFFFF, s11;
	s17 =	smul.u32 @!p1 $0xC80, s10  }
0x23: {  	s31 =	sadd.s32 $0xFFFFFFFF, s11;
	s16 =	sshll.u32 @!p1 s16, $0xD;
	s14 =	ssub.s32 @!p1 s14, s15  }
0x24: {  	s15 =	sand.u32 @!p1 $0x2000, s16;
	s16 =	sadd.s32 @!p1 s6, s17;
	s14 =	sshll.u32 @!p1 s14, $0x4  }
0x25: {  	s17 =	simm.s32 @!p1 $0x6400;
	s14 =	sadd.s32 @!p1 s14, s16;
	s16 =	simm.s32 @!p1 $0x40  }
0x26: {  	[tilespmem:s15], [sflag:$0x1] =	stream.strided.gather @!p1 [hbm4b:s14+s16], $0x2000, s17, s16, $0x38;
	[tilespmem:$0x8080] =	vst v63  }
0x27: {  	p1 =	sge.u32 s31, s5  }
.Ltmp2:
0x28: {  	_ = 	snop;
	(pc) =	sbr.rel @p1 .LBB1_5-.Ltmp2, $1  }
0x29: {  	_ =	sdelay $0x3  }
0x2a: {  	s14 =	simm.s32 $0x1  }
0x2b: {  	_ =	swait.ge [sflag:s4], $0x2000;
	s14 =	simm.s32 @!p0 $0x0  }
0x2c: {  	[sflag:s4] =	ssyncset.done $0x0;
	s15 =	sshll.u32 s14, $0xD  }
0x2d: {  	[sflag:s4] =	ssyncadd.s32 $0xFFFFE000;
	s18 =	sor.u32 $0x20, s15  }
0x2e: {  	s14 =	smul.u32 $0x8100, s14;
	v3 =	vld [tilespmem:s18+$0x10]  }
0x2f: {  	s30 =	sand.u32 $0x1, s11;
	v2 =	vld [tilespmem:s18+$0xFFFFFFF0]  }
0x30: {  	s15 =	smul.u32 $0x8100, s30;
	s14 =	sshrl.u32 s14, $0x2;
	v0 =	vld [tilespmem:s18+$0x0]  }
0x31: {  	v1 =	vld [tilespmem:s18+$0xFFFFFFE0];
	s16 =	sor.u32 $0x4000, s14  }
0x32: {  	s31 =	sshrl.u32 s15, $0x2;
	s15 =	sadd.s32 $0x0, s16  }
0x33: {  	s17 =	simm.s32 $0x4;
	s18 =	sadd.s32 $0x40, s18;
	s14 =	sor.u32 $0x4000, s31;
	[tilespmem:s15+$0x1830 ss:$0x81] =	vst.msk $0xffff, v3  }
.LBB1_3:
0x34: {  	v3 =	vld [tilespmem:s18+$0x10];
	p1 =	sne.s32 s17, $0x1FC;
	[tilespmem:s15+$0x810 ss:$0x81] =	vst.msk $0xffff, v2;
	s19 =	smov.u32 s17;
	s17 =	sadd.s32 $0x4, s17  }
.Ltmp3:
0x35: {  	v2 =	vld [tilespmem:s18+$0xFFFFFFF0];
	[tilespmem:s15+$0x1020 ss:$0x81] =	vst.msk $0xffff, v0;
	(pc) =	sbr.rel @p1 .LBB1_3-.Ltmp3, $4  }
0x36: {  	v0 =	vld [tilespmem:s18+$0x0];
	[tilespmem:s15+$0x0 ss:$0x81] =	vst.msk $0xffff, v1  }
0x37: {  	s15 =	sshra.s32 s19, $0x2;
	v1 =	vld [tilespmem:s18+$0xFFFFFFE0]  }
0x38: {  	s15 =	sadd.s32 s15, s16  }
0x39: {  	s18 =	sadd.s32 $0x40, s18;
	[tilespmem:s15+$0x1830 ss:$0x81] =	vst.msk $0xffff, v3  }
.Ltmp4:
0x3a: {  	_ = 	snop;
	(pc) =	sbr.rel .LBB1_4-.Ltmp4, $1  }
0x3b: {  	_ =	sdelay $0x3  }
.LBB1_6:
0x3c: {  	_ =	sfence.sel $0x180000  }
0x3d: {  	s2 =	simm.s32 $0x1;
	[bflag:$0x0] =	sbarrier.arrive $0xFFFF  }
0x3e: {  	s31 =	simm.s32 $0x2;
	[sflag:s2] =	ssyncpa.u1 $0x1  }
0x3f: {  	[sflag:s31] =	ssyncpa.u1 $0x1  }
0x40: {  	p0 =	sne.s32 s0, $0x0;
	_ =	strace $0x9000004A  }
0x41: {  	s0 =	sadd.s32 @!p0 $0x100000, s1;
	[bflag:$0x2] =	sbarrier.arrive $0xFFFF  }
0x42: {  	[sflag:s0] =	ssyncadd.tile.s32 @!p0 $0x1;
	_ =	shalt  }
.Lfunc_end1:
_tile_overlayer_lowered:
.L_overlay_start_2:
0x43: {  	(tag) =	ssettag $0x2  }
0x44: {  	s0 =	rddreg [dreg:$0x0];
	s2 =	stileid.u32  }
0x45: {  	s1 =	rddreg [dreg:$0x1];
	p0 =	sne.s32 s2, $0x0  }
0x46: {  	s3 =	rddreg [dreg:$0x2];
	[bflag:$0x3] =	sbarrier.arrive $0xFFFF;
	s2 =	simm.s32 @!p0 $0x1C01  }
0x47: {  	[timem:s3], [sflag:s2] =	dma.local @!p0 [hbm:s0], s1  }
0x48: {  	s0 =	simm.s32 @!p0 $0x1  }
0x49: {  	_ =	swait.ge @!p0 [sflag:s0], s1  }
0x4a: {  	s1 =	ssub.s32 @!p0 $0x0, s1;
	[sflag:s0] =	ssyncset.done @!p0 $0x0  }
0x4b: {  	[sflag:s0] =	ssyncadd.s32 @!p0 s1  }
0x4c: {  	[bflag:$0x3] =	sbarrier.arrive $0xFFFF  }
0x4d: {  	_ =	shalt  }

</sc_bundles>
